<compile_context>
chip_gen: v7x
topology: tpu7x:2x2x1
jax: 0.10.2.dev20260603
libtpu: 0.0.44.dev20260713+nightly
codegen_flags: <defaults>
</compile_context>

<pallas_src>
import jax
import jax.numpy as jnp
from jax import lax
from jax.experimental import pallas as pl
from jax.experimental.pallas import tpu as pltpu
from jax.experimental.pallas import tpu_sc as plsc

EMB_DIM = 64
BATCH = 4096
HIST = 200
SPLIT0 = 128
SPLIT1 = HIST - SPLIT0
NUM_WORKERS = 32
BPW = BATCH // NUM_WORKERS
PPW = BPW // 2
NBUF = 4
ROW_UNROLL = 4
PACK_ROWS = 2 * (BATCH // 2)


def _sc_gather_pool(seq_hbm, tgt_hbm, item_hbm,
                    out_hbm,
                    seq_v, rows_v, pack_v, tgt_idx_v, tgt_rows_v,
                    sem0, sem1, sem2, sem3, semx):
    wid = lax.axis_index("s") * 2 + lax.axis_index("c")
    base = wid * BPW

    pltpu.sync_copy(seq_hbm.at[pl.ds(base * HIST, BPW * HIST)], seq_v)
    pltpu.sync_copy(tgt_hbm.at[pl.ds(base, BPW)], tgt_idx_v)

    @pl.loop(0, (BPW * HIST) // 16)
    def _(k):
        v = seq_v[pl.ds(k * 16, 16)]
        seq_v[pl.ds(k * 16, 16)] = v + v

    for k in range(BPW // 16):
        tv = tgt_idx_v[pl.ds(k * 16, 16)]
        tgt_idx_v[pl.ds(k * 16, 16)] = tv + tv

    tgt_cp = pltpu.async_copy(item_hbm.at[tgt_idx_v], tgt_rows_v, semx)

    sems = (sem0, sem1, sem2, sem3)

    def issue(i, b):
        pltpu.async_copy(item_hbm.at[seq_v.at[pl.ds(i * HIST, SPLIT0)]],
                         rows_v.at[b, pl.ds(0, SPLIT0)], sems[b])
        pltpu.async_copy(
            item_hbm.at[seq_v.at[pl.ds(i * HIST + SPLIT0, SPLIT1)]],
            rows_v.at[b, pl.ds(SPLIT0, SPLIT1)], sems[b])

    def wait(i, b):
        pltpu.make_async_copy(item_hbm.at[seq_v.at[pl.ds(i * HIST, SPLIT0)]],
                              rows_v.at[b, pl.ds(0, SPLIT0)], sems[b]).wait()
        pltpu.make_async_copy(
            item_hbm.at[seq_v.at[pl.ds(i * HIST + SPLIT0, SPLIT1)]],
            rows_v.at[b, pl.ds(SPLIT0, SPLIT1)], sems[b]).wait()

    def accum_store(row, col, b):
        def body(j, acc):
            a0, a1, a2, a3 = acc
            for rr in range(ROW_UNROLL):
                r = j * ROW_UNROLL + rr
                a0 = a0 + rows_v[b, r, pl.ds(0, 16)]
                a1 = a1 + rows_v[b, r, pl.ds(16, 16)]
                a2 = a2 + rows_v[b, r, pl.ds(32, 16)]
                a3 = a3 + rows_v[b, r, pl.ds(48, 16)]
            return a0, a1, a2, a3

        zero = jnp.zeros((16,), jnp.float32)
        a0, a1, a2, a3 = lax.fori_loop(0, HIST // ROW_UNROLL, body,
                                       (zero, zero, zero, zero))
        scale = jnp.float32(1.0 / HIST)
        pack_v[row, pl.ds(col + 0, 16)] = a0 * scale
        pack_v[row, pl.ds(col + 16, 16)] = a1 * scale
        pack_v[row, pl.ds(col + 32, 16)] = a2 * scale
        pack_v[row, pl.ds(col + 48, 16)] = a3 * scale

    for b in range(NBUF):
        issue(b, b)

    @pl.loop(0, BPW, step=NBUF)
    def _(io):
        for b in range(NBUF):
            i = io + b
            wait(i, b)
            accum_store(io // 2 + b // 2, (b % 2) * EMB_DIM, b)

            @pl.when(i < BPW - NBUF)
            def _():
                issue(i + NBUF, b)

    tgt_cp.wait()

    @pl.loop(0, PPW)
    def _(p):
        for c in range(0, EMB_DIM, 16):
            pack_v[PPW + p, pl.ds(c, 16)] = tgt_rows_v[2 * p, pl.ds(c, 16)]
            pack_v[PPW + p, pl.ds(EMB_DIM + c, 16)] = (
                tgt_rows_v[2 * p + 1, pl.ds(c, 16)])

    half = BATCH // 2
    pltpu.sync_copy(pack_v.at[pl.ds(0, PPW)],
                    out_hbm.at[pl.ds(wid * PPW, PPW)])
    pltpu.sync_copy(pack_v.at[pl.ds(PPW, PPW)],
                    out_hbm.at[pl.ds(half + wid * PPW, PPW)])


def _gather_pool(seq1d, tgt, item_emb):
    f32 = jnp.float32
    mesh = plsc.VectorSubcoreMesh(core_axis_name="c", subcore_axis_name="s")
    return pl.kernel(
        _sc_gather_pool,
        out_type=jax.ShapeDtypeStruct((PACK_ROWS, 2 * EMB_DIM), f32),
        mesh=mesh,
        scratch_types=[
            pltpu.VMEM((BPW * HIST,), jnp.int32),
            pltpu.VMEM((NBUF, HIST, EMB_DIM), f32),
            pltpu.VMEM((2 * PPW, 2 * EMB_DIM), f32),
            pltpu.VMEM((BPW,), jnp.int32),
            pltpu.VMEM((BPW, EMB_DIM), f32),
            pltpu.SemaphoreType.DMA,
            pltpu.SemaphoreType.DMA,
            pltpu.SemaphoreType.DMA,
            pltpu.SemaphoreType.DMA,
            pltpu.SemaphoreType.DMA,
        ],
        compiler_params=pltpu.CompilerParams(use_tc_tiling_on_sc=False),
    )(seq1d, tgt, item_emb)


def _mlp_body(p_ref, t_ref, u_ref, wa_ref, wb_ref, wc_ref,
              b1_ref, w2_ref, b2_ref, o_ref):
    f32 = jnp.float32
    h = (jnp.dot(p_ref[...], wa_ref[...], preferred_element_type=f32)
         + jnp.dot(t_ref[...], wb_ref[...], preferred_element_type=f32)
         + jnp.dot(u_ref[...], wc_ref[...], preferred_element_type=f32)
         + b1_ref[...])
    h = jnp.maximum(h, 0.0)
    s = h * w2_ref[...]
    r0 = jnp.sum(s[:, :EMB_DIM], axis=1)
    r1 = jnp.sum(s[:, EMB_DIM:], axis=1)
    pair = jnp.stack([r0, r1], axis=-1)
    o_ref[...] = pair + b2_ref[...]


def _mlp(packed, upack, wa, wb, wc, b1p, w2p, b2s):
    blk = 512
    rows = blk // 2
    grid = (BATCH // blk,)
    nblk = (BATCH // 2) // rows
    spec_p = pl.BlockSpec((rows, 2 * EMB_DIM), lambda i: (i, 0))
    spec_t = pl.BlockSpec((rows, 2 * EMB_DIM), lambda i: (nblk + i, 0))
    spec_u = pl.BlockSpec((rows, 2 * EMB_DIM), lambda i: (i, 0))
    spec_full = lambda shape: pl.BlockSpec(shape, lambda i: (0, 0))
    return pl.pallas_call(
        _mlp_body,
        grid=grid,
        in_specs=[
            spec_p, spec_t, spec_u,
            spec_full((2 * EMB_DIM, 2 * EMB_DIM)),
            spec_full((2 * EMB_DIM, 2 * EMB_DIM)),
            spec_full((2 * EMB_DIM, 2 * EMB_DIM)),
            spec_full((1, 2 * EMB_DIM)),
            spec_full((1, 2 * EMB_DIM)),
            spec_full((1, 1)),
        ],
        out_specs=pl.BlockSpec((rows, 2), lambda i: (i, 0)),
        out_shape=jax.ShapeDtypeStruct((BATCH // 2, 2), jnp.float32),
    )(packed, packed, upack, wa, wb, wc, b1p, w2p, b2s)


PAD_COLS = 4096
N_ITEM_BLOCKS = -(-1000001 // PAD_COLS)
ITEM_ROWS_PAD = N_ITEM_BLOCKS * PAD_COLS


def _transpose_pad_body(in_ref, o_ref):
    t = in_ref[...].T
    o_ref[...] = jnp.concatenate([t, jnp.zeros_like(t)], axis=1)


def _transpose_pad(item_t):
    return pl.pallas_call(
        _transpose_pad_body,
        grid=(N_ITEM_BLOCKS,),
        in_specs=[pl.BlockSpec((EMB_DIM, PAD_COLS), lambda j: (0, j))],
        out_specs=pl.BlockSpec((PAD_COLS, 2 * EMB_DIM), lambda j: (j, 0)),
        out_shape=jax.ShapeDtypeStruct((ITEM_ROWS_PAD, 2 * EMB_DIM),
                                       jnp.float32),
    )(item_t)


def _diag2(w):
    z = jnp.zeros((EMB_DIM, EMB_DIM), jnp.float32)
    return jnp.block([[w, z], [z, w]])


def kernel(user_ids, input_seq, target_item, item_emb, user_emb, W1, b1, W2, b2):
    item_pad = _transpose_pad(jnp.swapaxes(item_emb, 0, 1))
    item2 = item_pad.reshape(2 * ITEM_ROWS_PAD, EMB_DIM)
    packed = _gather_pool(input_seq.reshape(-1), target_item, item2)
    upack = jnp.take(user_emb, user_ids, axis=0).reshape(BATCH // 2,
                                                         2 * EMB_DIM)
    w1t = W1.T
    wa = _diag2(w1t[:EMB_DIM])
    wb = _diag2(w1t[EMB_DIM:2 * EMB_DIM])
    wc = _diag2(w1t[2 * EMB_DIM:])
    b1p = jnp.tile(b1, 2).reshape(1, 2 * EMB_DIM)
    w2p = jnp.tile(W2.reshape(-1), 2).reshape(1, 2 * EMB_DIM)
    pair_out = _mlp(packed, upack, wa, wb, wc, b1p, w2p, b2.reshape(1, 1))
    return pair_out.reshape(BATCH, 1)

# --- scband reference (transcript-rebuilt; emitter-appended) ---
"""Pipeline reference for scband-sequence-rating-prediction-23295902613658 (READ-ONLY COPY).

The authoritative reference and input builder live on the scoring server;
editing this copy changes nothing except your own understanding.
"""

import jax, jax.numpy as jnp
import numpy as np

NUM_USERS = 1000000
NUM_ITEMS = 1000000
EMB_DIM = 64
BATCH = 4096
HIST = 200
PAD_IDX = NUM_ITEMS  # padding row index in item table


def setup_inputs(seed: int = 0) -> dict:
    key = jax.random.key(seed)
    ks = jax.random.split(key, 10)
    user_ids = jax.random.randint(ks[0], (BATCH,), 0, NUM_USERS, dtype=jnp.int64 if jax.config.jax_enable_x64 else jnp.int32)
    input_seq = jax.random.randint(ks[1], (BATCH, HIST), 0, NUM_ITEMS, dtype=jnp.int64 if jax.config.jax_enable_x64 else jnp.int32)
    target_item = jax.random.randint(ks[2], (BATCH,), 0, NUM_ITEMS, dtype=jnp.int64 if jax.config.jax_enable_x64 else jnp.int32)
    # item embedding table with an extra padding row (zeroed, matching nn.Embedding padding_idx init)
    item_emb = jax.random.normal(ks[3], (NUM_ITEMS + 1, EMB_DIM), dtype=jnp.float32)
    item_emb = item_emb.at[PAD_IDX].set(0.0)
    user_emb = jax.random.normal(ks[4], (NUM_USERS, EMB_DIM), dtype=jnp.float32)
    # fc_rating: Linear(3*E -> E), ReLU, Linear(E -> 1); torch weight layout [out, in]
    lim1 = 1.0 / np.sqrt(3 * EMB_DIM)
    W1 = jax.random.uniform(ks[5], (EMB_DIM, 3 * EMB_DIM), dtype=jnp.float32, minval=-lim1, maxval=lim1)
    b1 = jax.random.uniform(ks[6], (EMB_DIM,), dtype=jnp.float32, minval=-lim1, maxval=lim1)
    lim2 = 1.0 / np.sqrt(EMB_DIM)
    W2 = jax.random.uniform(ks[7], (1, EMB_DIM), dtype=jnp.float32, minval=-lim2, maxval=lim2)
    b2 = jax.random.uniform(ks[8], (1,), dtype=jnp.float32, minval=-lim2, maxval=lim2)
    return {
        "user_ids": user_ids,
        "input_seq": input_seq,
        "target_item": target_item,
        "item_emb": item_emb,
        "user_emb": user_emb,
        "W1": W1,
        "b1": b1,
        "W2": W2,
        "b2": b2,
    }


def reference(user_ids, input_seq, target_item, item_emb, user_emb, W1, b1, W2, b2):
    # replace -1 with padding idx (matches torch.where in forward)
    input_seq = jnp.where(input_seq == -1, PAD_IDX, input_seq)
    target_item = jnp.where(target_item == -1, PAD_IDX, target_item)
    embedded_seq = jnp.take(item_emb, input_seq, axis=0)        # [B, L, E]
    pooled_output = embedded_seq.mean(axis=1)                    # [B, E]
    embedded_target = jnp.take(item_emb, target_item, axis=0)    # [B, E]
    user_embeddings = jnp.take(user_emb, user_ids, axis=0)       # [B, E]
    combined = jnp.concatenate([pooled_output, embedded_target, user_embeddings], axis=1)  # [B, 3E]
    h = jnp.maximum(combined @ W1.T + b1, 0.0)
    out = h @ W2.T + b2                                          # [B, 1]
    return out

if __name__ == "__main__":
    import jax
    _d = setup_inputs()
    print(jax.jit(kernel)(*tuple(_d.values())))

</pallas_src>

<mosaic_0001>
#map = affine_map<(d0, d1) -> (0)>
#map1 = affine_map<(d0, d1) -> (0, 0)>
module attributes {stable_mosaic.version = 14 : i64} {
  func.func @_sc_gather_pool(%arg0: i32, %arg1: i32, %arg2: memref<819200xi32, #tpu.memory_space<hbm>>, %arg3: memref<4096xi32, #tpu.memory_space<hbm>>, %arg4: memref<2007040x64xf32, #tpu.memory_space<hbm>>, %arg5: memref<4096x128xf32, #tpu.memory_space<hbm>>, %arg6: memref<25600xi32, #tpu.memory_space<vmem>>, %arg7: memref<4x200x64xf32, #tpu.memory_space<vmem>>, %arg8: memref<128x128xf32, #tpu.memory_space<vmem>>, %arg9: memref<128xi32, #tpu.memory_space<vmem>>, %arg10: memref<128x64xf32, #tpu.memory_space<vmem>>, %arg11: memref<!tpu.dma_semaphore, #tpu.memory_space<semaphore_mem>>, %arg12: memref<!tpu.dma_semaphore, #tpu.memory_space<semaphore_mem>>, %arg13: memref<!tpu.dma_semaphore, #tpu.memory_space<semaphore_mem>>, %arg14: memref<!tpu.dma_semaphore, #tpu.memory_space<semaphore_mem>>, %arg15: memref<!tpu.dma_semaphore, #tpu.memory_space<semaphore_mem>>) attributes {dimension_semantics = [#tpu.dimension_semantics<core_parallel>, #tpu.dimension_semantics<subcore_parallel>], iteration_bounds = array<i64: 2, 16>, scalar_prefetch = 0 : i64, scratch_operands = 10 : i64, tpu.core_type = #tpu.core_type<sc_vector_subcore>, window_params = [{transform_indices = #map}, {transform_indices = #map}, {transform_indices = #map1}, {transform_indices = #map1}]} {
    %mul3A = arith.constant 2 : i32
    %mul3A_0 = arith.muli %arg1, %mul3A : i32
    %add3A = arith.addi %mul3A_0, %arg0 : i32
    %mul3A_1 = arith.constant 128 : i32
    %mul3A_2 = arith.muli %add3A, %mul3A_1 : i32
    %mul3A_3 = arith.constant 200 : i32
    %mul3A_4 = arith.muli %mul3A_2, %mul3A_3 : i32
    "tpu.region"() ({
      %run_scoped3A = tpu.sem_alloc : memref<!tpu.dma_semaphore, #tpu.memory_space<semaphore_mem>>
      %dma_start3A_171 = tpu.memref_slice %arg2[%mul3A_4] : memref<819200xi32, #tpu.memory_space<hbm>> -> memref<25600xi32, #tpu.memory_space<hbm>>
      %dma_start3A_172 = tpu.memref_slice %arg2[%mul3A_4] : memref<819200xi32, #tpu.memory_space<hbm>> -> memref<25600xi32, #tpu.memory_space<hbm>>
      tpu.enqueue_dma source(%dma_start3A_172 : memref<25600xi32, #tpu.memory_space<hbm>>) target(%arg6 : memref<25600xi32, #tpu.memory_space<vmem>>) target_semaphore(%run_scoped3A : memref<!tpu.dma_semaphore, #tpu.memory_space<semaphore_mem>>)
      %dma_wait3A_173 = tpu.memref_slice %arg2[%mul3A_4] : memref<819200xi32, #tpu.memory_space<hbm>> -> memref<25600xi32, #tpu.memory_space<hbm>>
      %dma_wait3A_174 = tpu.memref_slice %arg2[%mul3A_4] : memref<819200xi32, #tpu.memory_space<hbm>> -> memref<25600xi32, #tpu.memory_space<hbm>>
      tpu.wait_dma2 semaphore(%run_scoped3A : memref<!tpu.dma_semaphore, #tpu.memory_space<semaphore_mem>>) src(%dma_wait3A_174 : memref<25600xi32, #tpu.memory_space<hbm>>) dst(%arg6 : memref<25600xi32, #tpu.memory_space<vmem>>)
      tpu.yield
    }) : () -> ()
    "tpu.region"() ({
      %run_scoped3A = tpu.sem_alloc : memref<!tpu.dma_semaphore, #tpu.memory_space<semaphore_mem>>
      %dma_start3A_171 = tpu.memref_slice %arg3[%mul3A_2] : memref<4096xi32, #tpu.memory_space<hbm>> -> memref<128xi32, #tpu.memory_space<hbm>>
      %dma_start3A_172 = tpu.memref_slice %arg3[%mul3A_2] : memref<4096xi32, #tpu.memory_space<hbm>> -> memref<128xi32, #tpu.memory_space<hbm>>
      tpu.enqueue_dma source(%dma_start3A_172 : memref<128xi32, #tpu.memory_space<hbm>>) target(%arg9 : memref<128xi32, #tpu.memory_space<vmem>>) target_semaphore(%run_scoped3A : memref<!tpu.dma_semaphore, #tpu.memory_space<semaphore_mem>>)
      %dma_wait3A_173 = tpu.memref_slice %arg3[%mul3A_2] : memref<4096xi32, #tpu.memory_space<hbm>> -> memref<128xi32, #tpu.memory_space<hbm>>
      %dma_wait3A_174 = tpu.memref_slice %arg3[%mul3A_2] : memref<4096xi32, #tpu.memory_space<hbm>> -> memref<128xi32, #tpu.memory_space<hbm>>
      tpu.wait_dma2 semaphore(%run_scoped3A : memref<!tpu.dma_semaphore, #tpu.memory_space<semaphore_mem>>) src(%dma_wait3A_174 : memref<128xi32, #tpu.memory_space<hbm>>) dst(%arg9 : memref<128xi32, #tpu.memory_space<vmem>>)
      tpu.yield
    }) : () -> ()
    %scan3A = arith.constant 0 : i32
    %scan3A_5 = arith.constant 1600 : i32
    %scan3A_6 = arith.addi %scan3A, %scan3A_5 : i32
    %scan3A_7 = arith.constant 1 : i32
    scf.for %scan3A_171 = %scan3A to %scan3A_6 step %scan3A_7  : i32 {
      %mul3A_172 = arith.constant 1 : i32
      %mul3A_173 = arith.muli %scan3A_171, %mul3A_172 : i32
      %add3A_174 = arith.constant 0 : i32
      %add3A_175 = arith.addi %add3A_174, %mul3A_173 : i32
      %mul3A_176 = arith.constant 16 : i32
      %mul3A_177 = arith.muli %add3A_175, %mul3A_176 : i32
      %get3A_178 = arith.index_cast %mul3A_177 : i32 to index
      %get3A_179 = tpu.vector_load %arg6[%get3A_178] {strides = array<i32>} : memref<25600xi32, #tpu.memory_space<vmem>>, vector<16xi32>,
      %get3A_180 = vector.shape_cast %get3A_179 : vector<16xi32> to vector<16xi32>
      %add3A_181 = arith.addi %get3A_180, %get3A_180 : vector<16xi32>
      %mul3A_182 = arith.constant 16 : i32
      %mul3A_183 = arith.muli %add3A_175, %mul3A_182 : i32
      %swap3A_184 = arith.index_cast %mul3A_183 : i32 to index
      %swap3A_185 = tpu.vector_load %arg6[%swap3A_184] {strides = array<i32>} : memref<25600xi32, #tpu.memory_space<vmem>>, vector<16xi32>,
      %swap3A_186 = vector.shape_cast %swap3A_185 : vector<16xi32> to vector<16xi32>
      %swap3A_187 = vector.shape_cast %add3A_181 : vector<16xi32> to vector<16xi32>
      tpu.vector_store %arg6[%swap3A_184], %swap3A_187 {strides = array<i32>} : memref<25600xi32, #tpu.memory_space<vmem>>, vector<16xi32>,
    }
    %scan3A_8 = arith.constant 1600 : i32
    %get3A = arith.constant 0 : index
    %get3A_9 = tpu.vector_load %arg9[%get3A] {strides = array<i32>} : memref<128xi32, #tpu.memory_space<vmem>>, vector<16xi32>,
    %get3A_10 = vector.shape_cast %get3A_9 : vector<16xi32> to vector<16xi32>
    %add3A_11 = arith.addi %get3A_10, %get3A_10 : vector<16xi32>
    %swap3A = arith.constant 0 : index
    %swap3A_12 = tpu.vector_load %arg9[%swap3A] {strides = array<i32>} : memref<128xi32, #tpu.memory_space<vmem>>, vector<16xi32>,
    %swap3A_13 = vector.shape_cast %swap3A_12 : vector<16xi32> to vector<16xi32>
    %swap3A_14 = vector.shape_cast %add3A_11 : vector<16xi32> to vector<16xi32>
    tpu.vector_store %arg9[%swap3A], %swap3A_14 {strides = array<i32>} : memref<128xi32, #tpu.memory_space<vmem>>, vector<16xi32>,
    %get3A_15 = arith.constant 16 : index
    %get3A_16 = tpu.vector_load %arg9[%get3A_15] {strides = array<i32>} : memref<128xi32, #tpu.memory_space<vmem>>, vector<16xi32>,
    %get3A_17 = vector.shape_cast %get3A_16 : vector<16xi32> to vector<16xi32>
    %add3A_18 = arith.addi %get3A_17, %get3A_17 : vector<16xi32>
    %swap3A_19 = arith.constant 16 : index
    %swap3A_20 = tpu.vector_load %arg9[%swap3A_19] {strides = array<i32>} : memref<128xi32, #tpu.memory_space<vmem>>, vector<16xi32>,
    %swap3A_21 = vector.shape_cast %swap3A_20 : vector<16xi32> to vector<16xi32>
    %swap3A_22 = vector.shape_cast %add3A_18 : vector<16xi32> to vector<16xi32>
    tpu.vector_store %arg9[%swap3A_19], %swap3A_22 {strides = array<i32>} : memref<128xi32, #tpu.memory_space<vmem>>, vector<16xi32>,
    %get3A_23 = arith.constant 32 : index
    %get3A_24 = tpu.vector_load %arg9[%get3A_23] {strides = array<i32>} : memref<128xi32, #tpu.memory_space<vmem>>, vector<16xi32>,
    %get3A_25 = vector.shape_cast %get3A_24 : vector<16xi32> to vector<16xi32>
    %add3A_26 = arith.addi %get3A_25, %get3A_25 : vector<16xi32>
    %swap3A_27 = arith.constant 32 : index
    %swap3A_28 = tpu.vector_load %arg9[%swap3A_27] {strides = array<i32>} : memref<128xi32, #tpu.memory_space<vmem>>, vector<16xi32>,
    %swap3A_29 = vector.shape_cast %swap3A_28 : vector<16xi32> to vector<16xi32>
    %swap3A_30 = vector.shape_cast %add3A_26 : vector<16xi32> to vector<16xi32>
    tpu.vector_store %arg9[%swap3A_27], %swap3A_30 {strides = array<i32>} : memref<128xi32, #tpu.memory_space<vmem>>, vector<16xi32>,
    %get3A_31 = arith.constant 48 : index
    %get3A_32 = tpu.vector_load %arg9[%get3A_31] {strides = array<i32>} : memref<128xi32, #tpu.memory_space<vmem>>, vector<16xi32>,
    %get3A_33 = vector.shape_cast %get3A_32 : vector<16xi32> to vector<16xi32>
    %add3A_34 = arith.addi %get3A_33, %get3A_33 : vector<16xi32>
    %swap3A_35 = arith.constant 48 : index
    %swap3A_36 = tpu.vector_load %arg9[%swap3A_35] {strides = array<i32>} : memref<128xi32, #tpu.memory_space<vmem>>, vector<16xi32>,
    %swap3A_37 = vector.shape_cast %swap3A_36 : vector<16xi32> to vector<16xi32>
    %swap3A_38 = vector.shape_cast %add3A_34 : vector<16xi32> to vector<16xi32>
    tpu.vector_store %arg9[%swap3A_35], %swap3A_38 {strides = array<i32>} : memref<128xi32, #tpu.memory_space<vmem>>, vector<16xi32>,
    %get3A_39 = arith.constant 64 : index
    %get3A_40 = tpu.vector_load %arg9[%get3A_39] {strides = array<i32>} : memref<128xi32, #tpu.memory_space<vmem>>, vector<16xi32>,
    %get3A_41 = vector.shape_cast %get3A_40 : vector<16xi32> to vector<16xi32>
    %add3A_42 = arith.addi %get3A_41, %get3A_41 : vector<16xi32>
    %swap3A_43 = arith.constant 64 : index
    %swap3A_44 = tpu.vector_load %arg9[%swap3A_43] {strides = array<i32>} : memref<128xi32, #tpu.memory_space<vmem>>, vector<16xi32>,
    %swap3A_45 = vector.shape_cast %swap3A_44 : vector<16xi32> to vector<16xi32>
    %swap3A_46 = vector.shape_cast %add3A_42 : vector<16xi32> to vector<16xi32>
    tpu.vector_store %arg9[%swap3A_43], %swap3A_46 {strides = array<i32>} : memref<128xi32, #tpu.memory_space<vmem>>, vector<16xi32>,
    %get3A_47 = arith.constant 80 : index
    %get3A_48 = tpu.vector_load %arg9[%get3A_47] {strides = array<i32>} : memref<128xi32, #tpu.memory_space<vmem>>, vector<16xi32>,
    %get3A_49 = vector.shape_cast %get3A_48 : vector<16xi32> to vector<16xi32>
    %add3A_50 = arith.addi %get3A_49, %get3A_49 : vector<16xi32>
    %swap3A_51 = arith.constant 80 : index
    %swap3A_52 = tpu.vector_load %arg9[%swap3A_51] {strides = array<i32>} : memref<128xi32, #tpu.memory_space<vmem>>, vector<16xi32>,
    %swap3A_53 = vector.shape_cast %swap3A_52 : vector<16xi32> to vector<16xi32>
    %swap3A_54 = vector.shape_cast %add3A_50 : vector<16xi32> to vector<16xi32>
    tpu.vector_store %arg9[%swap3A_51], %swap3A_54 {strides = array<i32>} : memref<128xi32, #tpu.memory_space<vmem>>, vector<16xi32>,
    %get3A_55 = arith.constant 96 : index
    %get3A_56 = tpu.vector_load %arg9[%get3A_55] {strides = array<i32>} : memref<128xi32, #tpu.memory_space<vmem>>, vector<16xi32>,
    %get3A_57 = vector.shape_cast %get3A_56 : vector<16xi32> to vector<16xi32>
    %add3A_58 = arith.addi %get3A_57, %get3A_57 : vector<16xi32>
    %swap3A_59 = arith.constant 96 : index
    %swap3A_60 = tpu.vector_load %arg9[%swap3A_59] {strides = array<i32>} : memref<128xi32, #tpu.memory_space<vmem>>, vector<16xi32>,
    %swap3A_61 = vector.shape_cast %swap3A_60 : vector<16xi32> to vector<16xi32>
    %swap3A_62 = vector.shape_cast %add3A_58 : vector<16xi32> to vector<16xi32>
    tpu.vector_store %arg9[%swap3A_59], %swap3A_62 {strides = array<i32>} : memref<128xi32, #tpu.memory_space<vmem>>, vector<16xi32>,
    %get3A_63 = arith.constant 112 : index
    %get3A_64 = tpu.vector_load %arg9[%get3A_63] {strides = array<i32>} : memref<128xi32, #tpu.memory_space<vmem>>, vector<16xi32>,
    %get3A_65 = vector.shape_cast %get3A_64 : vector<16xi32> to vector<16xi32>
    %add3A_66 = arith.addi %get3A_65, %get3A_65 : vector<16xi32>
    %swap3A_67 = arith.constant 112 : index
    %swap3A_68 = tpu.vector_load %arg9[%swap3A_67] {strides = array<i32>} : memref<128xi32, #tpu.memory_space<vmem>>, vector<16xi32>,
    %swap3A_69 = vector.shape_cast %swap3A_68 : vector<16xi32> to vector<16xi32>
    %swap3A_70 = vector.shape_cast %add3A_66 : vector<16xi32> to vector<16xi32>
    tpu.vector_store %arg9[%swap3A_67], %swap3A_70 {strides = array<i32>} : memref<128xi32, #tpu.memory_space<vmem>>, vector<16xi32>,
    %dma_start3A = arith.constant 0 : i32
    %dma_start3A_71 = arith.constant 0 : i32
    %dma_start3A_72 = tpu.memref_slice %arg4[%dma_start3A, %dma_start3A_71] : memref<2007040x64xf32, #tpu.memory_space<hbm>> -> memref<2007040x64xf32, #tpu.memory_space<hbm>>
    tpu.enqueue_indirect_dma source(%dma_start3A_72 : memref<2007040x64xf32, #tpu.memory_space<hbm>>) target(%arg10 : memref<128x64xf32, #tpu.memory_space<vmem>>) offsets(%arg9 : memref<128xi32, #tpu.memory_space<vmem>>) semaphore(%arg15 : memref<!tpu.dma_semaphore, #tpu.memory_space<semaphore_mem>>)
    %dma_start3A_73 = arith.constant 0 : i32
    %dma_start3A_74 = arith.constant 0 : i32
    %dma_start3A_75 = arith.constant 0 : i32
    %dma_start3A_76 = tpu.memref_slice %arg7[%dma_start3A_73, %dma_start3A_74, %dma_start3A_75] : memref<4x200x64xf32, #tpu.memory_space<vmem>> -> memref<1x128x64xf32, #tpu.memory_space<vmem>>
    %dma_start3A_77 = tpu.memref_squeeze %dma_start3A_76 : memref<1x128x64xf32, #tpu.memory_space<vmem>> -> memref<128x64xf32, #tpu.memory_space<vmem>>
    %dma_start3A_78 = arith.constant 0 : i32
    %dma_start3A_79 = tpu.memref_slice %arg6[%dma_start3A_78] : memref<25600xi32, #tpu.memory_space<vmem>> -> memref<128xi32, #tpu.memory_space<vmem>>
    %dma_start3A_80 = arith.constant 0 : i32
    %dma_start3A_81 = arith.constant 0 : i32
    %dma_start3A_82 = tpu.memref_slice %arg4[%dma_start3A_80, %dma_start3A_81] : memref<2007040x64xf32, #tpu.memory_space<hbm>> -> memref<2007040x64xf32, #tpu.memory_space<hbm>>
    tpu.enqueue_indirect_dma source(%dma_start3A_82 : memref<2007040x64xf32, #tpu.memory_space<hbm>>) target(%dma_start3A_77 : memref<128x64xf32, #tpu.memory_space<vmem>>) offsets(%dma_start3A_79 : memref<128xi32, #tpu.memory_space<vmem>>) semaphore(%arg11 : memref<!tpu.dma_semaphore, #tpu.memory_space<semaphore_mem>>)
    %dma_start3A_83 = arith.constant 0 : i32
    %dma_start3A_84 = arith.constant 128 : i32
    %dma_start3A_85 = arith.constant 0 : i32
    %dma_start3A_86 = tpu.memref_slice %arg7[%dma_start3A_83, %dma_start3A_84, %dma_start3A_85] : memref<4x200x64xf32, #tpu.memory_space<vmem>> -> memref<1x72x64xf32, #tpu.memory_space<vmem>>
    %dma_start3A_87 = tpu.memref_squeeze %dma_start3A_86 : memref<1x72x64xf32, #tpu.memory_space<vmem>> -> memref<72x64xf32, #tpu.memory_space<vmem>>
    %dma_start3A_88 = arith.constant 128 : i32
    %dma_start3A_89 = tpu.memref_slice %arg6[%dma_start3A_88] : memref<25600xi32, #tpu.memory_space<vmem>> -> memref<72xi32, #tpu.memory_space<vmem>>
    %dma_start3A_90 = arith.constant 0 : i32
    %dma_start3A_91 = arith.constant 0 : i32
    %dma_start3A_92 = tpu.memref_slice %arg4[%dma_start3A_90, %dma_start3A_91] : memref<2007040x64xf32, #tpu.memory_space<hbm>> -> memref<2007040x64xf32, #tpu.memory_space<hbm>>
    tpu.enqueue_indirect_dma source(%dma_start3A_92 : memref<2007040x64xf32, #tpu.memory_space<hbm>>) target(%dma_start3A_87 : memref<72x64xf32, #tpu.memory_space<vmem>>) offsets(%dma_start3A_89 : memref<72xi32, #tpu.memory_space<vmem>>) semaphore(%arg11 : memref<!tpu.dma_semaphore, #tpu.memory_space<semaphore_mem>>)
    %dma_start3A_93 = arith.constant 1 : i32
    %dma_start3A_94 = arith.constant 0 : i32
    %dma_start3A_95 = arith.constant 0 : i32
    %dma_start3A_96 = tpu.memref_slice %arg7[%dma_start3A_93, %dma_start3A_94, %dma_start3A_95] : memref<4x200x64xf32, #tpu.memory_space<vmem>> -> memref<1x128x64xf32, #tpu.memory_space<vmem>>
    %dma_start3A_97 = tpu.memref_squeeze %dma_start3A_96 : memref<1x128x64xf32, #tpu.memory_space<vmem>> -> memref<128x64xf32, #tpu.memory_space<vmem>>
    %dma_start3A_98 = arith.constant 200 : i32
    %dma_start3A_99 = tpu.memref_slice %arg6[%dma_start3A_98] : memref<25600xi32, #tpu.memory_space<vmem>> -> memref<128xi32, #tpu.memory_space<vmem>>
    %dma_start3A_100 = arith.constant 0 : i32
    %dma_start3A_101 = arith.constant 0 : i32
    %dma_start3A_102 = tpu.memref_slice %arg4[%dma_start3A_100, %dma_start3A_101] : memref<2007040x64xf32, #tpu.memory_space<hbm>> -> memref<2007040x64xf32, #tpu.memory_space<hbm>>
    tpu.enqueue_indirect_dma source(%dma_start3A_102 : memref<2007040x64xf32, #tpu.memory_space<hbm>>) target(%dma_start3A_97 : memref<128x64xf32, #tpu.memory_space<vmem>>) offsets(%dma_start3A_99 : memref<128xi32, #tpu.memory_space<vmem>>) semaphore(%arg12 : memref<!tpu.dma_semaphore, #tpu.memory_space<semaphore_mem>>)
    %dma_start3A_103 = arith.constant 1 : i32
    %dma_start3A_104 = arith.constant 128 : i32
    %dma_start3A_105 = arith.constant 0 : i32
    %dma_start3A_106 = tpu.memref_slice %arg7[%dma_start3A_103, %dma_start3A_104, %dma_start3A_105] : memref<4x200x64xf32, #tpu.memory_space<vmem>> -> memref<1x72x64xf32, #tpu.memory_space<vmem>>
    %dma_start3A_107 = tpu.memref_squeeze %dma_start3A_106 : memref<1x72x64xf32, #tpu.memory_space<vmem>> -> memref<72x64xf32, #tpu.memory_space<vmem>>
    %dma_start3A_108 = arith.constant 328 : i32
    %dma_start3A_109 = tpu.memref_slice %arg6[%dma_start3A_108] : memref<25600xi32, #tpu.memory_space<vmem>> -> memref<72xi32, #tpu.memory_space<vmem>>
    %dma_start3A_110 = arith.constant 0 : i32
    %dma_start3A_111 = arith.constant 0 : i32
    %dma_start3A_112 = tpu.memref_slice %arg4[%dma_start3A_110, %dma_start3A_111] : memref<2007040x64xf32, #tpu.memory_space<hbm>> -> memref<2007040x64xf32, #tpu.memory_space<hbm>>
    tpu.enqueue_indirect_dma source(%dma_start3A_112 : memref<2007040x64xf32, #tpu.memory_space<hbm>>) target(%dma_start3A_107 : memref<72x64xf32, #tpu.memory_space<vmem>>) offsets(%dma_start3A_109 : memref<72xi32, #tpu.memory_space<vmem>>) semaphore(%arg12 : memref<!tpu.dma_semaphore, #tpu.memory_space<semaphore_mem>>)
    %dma_start3A_113 = arith.constant 2 : i32
    %dma_start3A_114 = arith.constant 0 : i32
    %dma_start3A_115 = arith.constant 0 : i32
    %dma_start3A_116 = tpu.memref_slice %arg7[%dma_start3A_113, %dma_start3A_114, %dma_start3A_115] : memref<4x200x64xf32, #tpu.memory_space<vmem>> -> memref<1x128x64xf32, #tpu.memory_space<vmem>>
    %dma_start3A_117 = tpu.memref_squeeze %dma_start3A_116 : memref<1x128x64xf32, #tpu.memory_space<vmem>> -> memref<128x64xf32, #tpu.memory_space<vmem>>
    %dma_start3A_118 = arith.constant 400 : i32
    %dma_start3A_119 = tpu.memref_slice %arg6[%dma_start3A_118] : memref<25600xi32, #tpu.memory_space<vmem>> -> memref<128xi32, #tpu.memory_space<vmem>>
    %dma_start3A_120 = arith.constant 0 : i32
    %dma_start3A_121 = arith.constant 0 : i32
    %dma_start3A_122 = tpu.memref_slice %arg4[%dma_start3A_120, %dma_start3A_121] : memref<2007040x64xf32, #tpu.memory_space<hbm>> -> memref<2007040x64xf32, #tpu.memory_space<hbm>>
    tpu.enqueue_indirect_dma source(%dma_start3A_122 : memref<2007040x64xf32, #tpu.memory_space<hbm>>) target(%dma_start3A_117 : memref<128x64xf32, #tpu.memory_space<vmem>>) offsets(%dma_start3A_119 : memref<128xi32, #tpu.memory_space<vmem>>) semaphore(%arg13 : memref<!tpu.dma_semaphore, #tpu.memory_space<semaphore_mem>>)
    %dma_start3A_123 = arith.constant 2 : i32
    %dma_start3A_124 = arith.constant 128 : i32
    %dma_start3A_125 = arith.constant 0 : i32
    %dma_start3A_126 = tpu.memref_slice %arg7[%dma_start3A_123, %dma_start3A_124, %dma_start3A_125] : memref<4x200x64xf32, #tpu.memory_space<vmem>> -> memref<1x72x64xf32, #tpu.memory_space<vmem>>
    %dma_start3A_127 = tpu.memref_squeeze %dma_start3A_126 : memref<1x72x64xf32, #tpu.memory_space<vmem>> -> memref<72x64xf32, #tpu.memory_space<vmem>>
    %dma_start3A_128 = arith.constant 528 : i32
    %dma_start3A_129 = tpu.memref_slice %arg6[%dma_start3A_128] : memref<25600xi32, #tpu.memory_space<vmem>> -> memref<72xi32, #tpu.memory_space<vmem>>
    %dma_start3A_130 = arith.constant 0 : i32
    %dma_start3A_131 = arith.constant 0 : i32
    %dma_start3A_132 = tpu.memref_slice %arg4[%dma_start3A_130, %dma_start3A_131] : memref<2007040x64xf32, #tpu.memory_space<hbm>> -> memref<2007040x64xf32, #tpu.memory_space<hbm>>
    tpu.enqueue_indirect_dma source(%dma_start3A_132 : memref<2007040x64xf32, #tpu.memory_space<hbm>>) target(%dma_start3A_127 : memref<72x64xf32, #tpu.memory_space<vmem>>) offsets(%dma_start3A_129 : memref<72xi32, #tpu.memory_space<vmem>>) semaphore(%arg13 : memref<!tpu.dma_semaphore, #tpu.memory_space<semaphore_mem>>)
    %dma_start3A_133 = arith.constant 3 : i32
    %dma_start3A_134 = arith.constant 0 : i32
    %dma_start3A_135 = arith.constant 0 : i32
    %dma_start3A_136 = tpu.memref_slice %arg7[%dma_start3A_133, %dma_start3A_134, %dma_start3A_135] : memref<4x200x64xf32, #tpu.memory_space<vmem>> -> memref<1x128x64xf32, #tpu.memory_space<vmem>>
    %dma_start3A_137 = tpu.memref_squeeze %dma_start3A_136 : memref<1x128x64xf32, #tpu.memory_space<vmem>> -> memref<128x64xf32, #tpu.memory_space<vmem>>
    %dma_start3A_138 = arith.constant 600 : i32
    %dma_start3A_139 = tpu.memref_slice %arg6[%dma_start3A_138] : memref<25600xi32, #tpu.memory_space<vmem>> -> memref<128xi32, #tpu.memory_space<vmem>>
    %dma_start3A_140 = arith.constant 0 : i32
    %dma_start3A_141 = arith.constant 0 : i32
    %dma_start3A_142 = tpu.memref_slice %arg4[%dma_start3A_140, %dma_start3A_141] : memref<2007040x64xf32, #tpu.memory_space<hbm>> -> memref<2007040x64xf32, #tpu.memory_space<hbm>>
    tpu.enqueue_indirect_dma source(%dma_start3A_142 : memref<2007040x64xf32, #tpu.memory_space<hbm>>) target(%dma_start3A_137 : memref<128x64xf32, #tpu.memory_space<vmem>>) offsets(%dma_start3A_139 : memref<128xi32, #tpu.memory_space<vmem>>) semaphore(%arg14 : memref<!tpu.dma_semaphore, #tpu.memory_space<semaphore_mem>>)
    %dma_start3A_143 = arith.constant 3 : i32
    %dma_start3A_144 = arith.constant 128 : i32
    %dma_start3A_145 = arith.constant 0 : i32
    %dma_start3A_146 = tpu.memref_slice %arg7[%dma_start3A_143, %dma_start3A_144, %dma_start3A_145] : memref<4x200x64xf32, #tpu.memory_space<vmem>> -> memref<1x72x64xf32, #tpu.memory_space<vmem>>
    %dma_start3A_147 = tpu.memref_squeeze %dma_start3A_146 : memref<1x72x64xf32, #tpu.memory_space<vmem>> -> memref<72x64xf32, #tpu.memory_space<vmem>>
    %dma_start3A_148 = arith.constant 728 : i32
    %dma_start3A_149 = tpu.memref_slice %arg6[%dma_start3A_148] : memref<25600xi32, #tpu.memory_space<vmem>> -> memref<72xi32, #tpu.memory_space<vmem>>
    %dma_start3A_150 = arith.constant 0 : i32
    %dma_start3A_151 = arith.constant 0 : i32
    %dma_start3A_152 = tpu.memref_slice %arg4[%dma_start3A_150, %dma_start3A_151] : memref<2007040x64xf32, #tpu.memory_space<hbm>> -> memref<2007040x64xf32, #tpu.memory_space<hbm>>
    tpu.enqueue_indirect_dma source(%dma_start3A_152 : memref<2007040x64xf32, #tpu.memory_space<hbm>>) target(%dma_start3A_147 : memref<72x64xf32, #tpu.memory_space<vmem>>) offsets(%dma_start3A_149 : memref<72xi32, #tpu.memory_space<vmem>>) semaphore(%arg14 : memref<!tpu.dma_semaphore, #tpu.memory_space<semaphore_mem>>)
    %scan3A_153 = arith.constant 0 : i32
    %scan3A_154 = arith.constant 32 : i32
    %scan3A_155 = arith.addi %scan3A_153, %scan3A_154 : i32
    %scan3A_156 = arith.constant 1 : i32
    scf.for %scan3A_171 = %scan3A_153 to %scan3A_155 step %scan3A_156  : i32 {
      %mul3A_172 = arith.constant 4 : i32
      %mul3A_173 = arith.muli %scan3A_171, %mul3A_172 : i32
      %add3A_174 = arith.constant 0 : i32
      %add3A_175 = arith.addi %add3A_174, %mul3A_173 : i32
      %add3A_176 = arith.constant 0 : i32
      %add3A_177 = arith.addi %add3A_175, %add3A_176 : i32
      %mul3A_178 = arith.constant 200 : i32
      %mul3A_179 = arith.muli %add3A_177, %mul3A_178 : i32
      %dma_wait3A_180 = arith.constant 0 : i32
      %dma_wait3A_181 = arith.constant 0 : i32
      %dma_wait3A_182 = arith.constant 0 : i32
      %dma_wait3A_183 = tpu.memref_slice %arg7[%dma_wait3A_180, %dma_wait3A_181, %dma_wait3A_182] : memref<4x200x64xf32, #tpu.memory_space<vmem>> -> memref<1x128x64xf32, #tpu.memory_space<vmem>>
      %dma_wait3A_184 = tpu.memref_squeeze %dma_wait3A_183 : memref<1x128x64xf32, #tpu.memory_space<vmem>> -> memref<128x64xf32, #tpu.memory_space<vmem>>
      %dma_wait3A_185 = tpu.memref_slice %arg6[%mul3A_179] : memref<25600xi32, #tpu.memory_space<vmem>> -> memref<128xi32, #tpu.memory_space<vmem>>
      %dma_wait3A_186 = arith.constant 0 : i32
      %dma_wait3A_187 = arith.constant 0 : i32
      %dma_wait3A_188 = tpu.memref_slice %arg4[%dma_wait3A_186, %dma_wait3A_187] : memref<2007040x64xf32, #tpu.memory_space<hbm>> -> memref<2007040x64xf32, #tpu.memory_space<hbm>>
      tpu.wait_indirect_dma semaphore(%arg11 : memref<!tpu.dma_semaphore, #tpu.memory_space<semaphore_mem>>) src(%dma_wait3A_188 : memref<2007040x64xf32, #tpu.memory_space<hbm>>) dst(%dma_wait3A_184 : memref<128x64xf32, #tpu.memory_space<vmem>>)
      %mul3A_189 = arith.constant 200 : i32
      %mul3A_190 = arith.muli %add3A_177, %mul3A_189 : i32
      %add3A_191 = arith.constant 128 : i32
      %add3A_192 = arith.addi %mul3A_190, %add3A_191 : i32
      %dma_wait3A_193 = arith.constant 0 : i32
      %dma_wait3A_194 = arith.constant 128 : i32
      %dma_wait3A_195 = arith.constant 0 : i32
      %dma_wait3A_196 = tpu.memref_slice %arg7[%dma_wait3A_193, %dma_wait3A_194, %dma_wait3A_195] : memref<4x200x64xf32, #tpu.memory_space<vmem>> -> memref<1x72x64xf32, #tpu.memory_space<vmem>>
      %dma_wait3A_197 = tpu.memref_squeeze %dma_wait3A_196 : memref<1x72x64xf32, #tpu.memory_space<vmem>> -> memref<72x64xf32, #tpu.memory_space<vmem>>
      %dma_wait3A_198 = tpu.memref_slice %arg6[%add3A_192] : memref<25600xi32, #tpu.memory_space<vmem>> -> memref<72xi32, #tpu.memory_space<vmem>>
      %dma_wait3A_199 = arith.constant 0 : i32
      %dma_wait3A_200 = arith.constant 0 : i32
      %dma_wait3A_201 = tpu.memref_slice %arg4[%dma_wait3A_199, %dma_wait3A_200] : memref<2007040x64xf32, #tpu.memory_space<hbm>> -> memref<2007040x64xf32, #tpu.memory_space<hbm>>
      tpu.wait_indirect_dma semaphore(%arg11 : memref<!tpu.dma_semaphore, #tpu.memory_space<semaphore_mem>>) src(%dma_wait3A_201 : memref<2007040x64xf32, #tpu.memory_space<hbm>>) dst(%dma_wait3A_197 : memref<72x64xf32, #tpu.memory_space<vmem>>)
      %jit3A = arith.constant 2 : i32
      %div3A = arith.divsi %add3A_175, %jit3A : i32
      %sign3A = arith.constant 0 : i32
      %sign3A_202 = arith.cmpi sgt, %add3A_175, %sign3A : i32
      %sign3A_203 = arith.extui %sign3A_202 : i1 to i32
      %sign3A_204 = arith.constant 0 : i32
      %sign3A_205 = arith.cmpi slt, %add3A_175, %sign3A_204 : i32
      %sign3A_206 = arith.extui %sign3A_205 : i1 to i32
      %sign3A_207 = arith.subi %sign3A_203, %sign3A_206 : i32
      %sign3A_208 = arith.constant 0 : i32
      %sign3A_209 = arith.cmpi sgt, %jit3A, %sign3A_208 : i32
      %sign3A_210 = arith.extui %sign3A_209 : i1 to i32
      %sign3A_211 = arith.constant 0 : i32
      %sign3A_212 = arith.cmpi slt, %jit3A, %sign3A_211 : i32
      %sign3A_213 = arith.extui %sign3A_212 : i1 to i32
      %sign3A_214 = arith.subi %sign3A_210, %sign3A_213 : i32
      %ne3A = arith.cmpi ne, %sign3A_207, %sign3A_214 : i32
      %rem3A = arith.remsi %add3A_175, %jit3A : i32
      %ne3A_215 = arith.constant 0 : i32
      %ne3A_216 = arith.cmpi ne, %rem3A, %ne3A_215 : i32
      %and3A = arith.andi %ne3A, %ne3A_216 : i1
      %sub3A = arith.constant 1 : i32
      %sub3A_217 = arith.subi %div3A, %sub3A : i32
      %select_n3A = arith.select %and3A, %sub3A_217, %div3A : i32
      %add3A_218 = arith.constant 0 : i32
      %add3A_219 = arith.addi %select_n3A, %add3A_218 : i32
      %broadcast_in_dim3A = arith.constant 0.000000e+00 : f32
      %broadcast_in_dim3A_220 = vector.broadcast %broadcast_in_dim3A : f32 to vector<16xf32>
      %scan3A_221 = arith.constant 0 : i32
      %scan3A_222 = arith.constant 50 : i32
      %scan3A_223 = arith.addi %scan3A_221, %scan3A_222 : i32
      %scan3A_224 = arith.constant 1 : i32
      %scan3A_225:4 = scf.for %scan3A_552 = %scan3A_221 to %scan3A_223 step %scan3A_224 iter_args(%scan3A_553 = %broadcast_in_dim3A_220, %scan3A_554 = %broadcast_in_dim3A_220, %scan3A_555 = %broadcast_in_dim3A_220, %scan3A_556 = %broadcast_in_dim3A_220) -> (vector<16xf32>, vector<16xf32>, vector<16xf32>, vector<16xf32>)  : i32 {
        %mul3A_557 = arith.constant 4 : i32
        %mul3A_558 = arith.muli %scan3A_552, %mul3A_557 : i32
        %add3A_559 = arith.constant 0 : i32
        %add3A_560 = arith.addi %mul3A_558, %add3A_559 : i32
        %get3A_561 = arith.constant 0 : i32
        %get3A_562 = arith.index_cast %get3A_561 : i32 to index
        %get3A_563 = arith.index_cast %add3A_560 : i32 to index
        %get3A_564 = arith.constant 0 : index
        %get3A_565 = tpu.vector_load %arg7[%get3A_562, %get3A_563, %get3A_564] {strides = array<i32>} : memref<4x200x64xf32, #tpu.memory_space<vmem>>, vector<1x1x16xf32>,
        %get3A_566 = vector.shape_cast %get3A_565 : vector<1x1x16xf32> to vector<16xf32>
        %add3A_567 = arith.addf %scan3A_553, %get3A_566 : vector<16xf32>
        %get3A_568 = arith.constant 0 : i32
        %get3A_569 = arith.index_cast %get3A_568 : i32 to index
        %get3A_570 = arith.index_cast %add3A_560 : i32 to index
        %get3A_571 = arith.constant 16 : index
        %get3A_572 = tpu.vector_load %arg7[%get3A_569, %get3A_570, %get3A_571] {strides = array<i32>} : memref<4x200x64xf32, #tpu.memory_space<vmem>>, vector<1x1x16xf32>,
        %get3A_573 = vector.shape_cast %get3A_572 : vector<1x1x16xf32> to vector<16xf32>
        %add3A_574 = arith.addf %scan3A_554, %get3A_573 : vector<16xf32>
        %get3A_575 = arith.constant 0 : i32
        %get3A_576 = arith.index_cast %get3A_575 : i32 to index
        %get3A_577 = arith.index_cast %add3A_560 : i32 to index
        %get3A_578 = arith.constant 32 : index
        %get3A_579 = tpu.vector_load %arg7[%get3A_576, %get3A_577, %get3A_578] {strides = array<i32>} : memref<4x200x64xf32, #tpu.memory_space<vmem>>, vector<1x1x16xf32>,
        %get3A_580 = vector.shape_cast %get3A_579 : vector<1x1x16xf32> to vector<16xf32>
        %add3A_581 = arith.addf %scan3A_555, %get3A_580 : vector<16xf32>
        %get3A_582 = arith.constant 0 : i32
        %get3A_583 = arith.index_cast %get3A_582 : i32 to index
        %get3A_584 = arith.index_cast %add3A_560 : i32 to index
        %get3A_585 = arith.constant 48 : index
        %get3A_586 = tpu.vector_load %arg7[%get3A_583, %get3A_584, %get3A_585] {strides = array<i32>} : memref<4x200x64xf32, #tpu.memory_space<vmem>>, vector<1x1x16xf32>,
        %get3A_587 = vector.shape_cast %get3A_586 : vector<1x1x16xf32> to vector<16xf32>
        %add3A_588 = arith.addf %scan3A_556, %get3A_587 : vector<16xf32>
        %mul3A_589 = arith.constant 4 : i32
        %mul3A_590 = arith.muli %scan3A_552, %mul3A_589 : i32
        %add3A_591 = arith.constant 1 : i32
        %add3A_592 = arith.addi %mul3A_590, %add3A_591 : i32
        %get3A_593 = arith.constant 0 : i32
        %get3A_594 = arith.index_cast %get3A_593 : i32 to index
        %get3A_595 = arith.index_cast %add3A_592 : i32 to index
        %get3A_596 = arith.constant 0 : index
        %get3A_597 = tpu.vector_load %arg7[%get3A_594, %get3A_595, %get3A_596] {strides = array<i32>} : memref<4x200x64xf32, #tpu.memory_space<vmem>>, vector<1x1x16xf32>,
        %get3A_598 = vector.shape_cast %get3A_597 : vector<1x1x16xf32> to vector<16xf32>
        %add3A_599 = arith.addf %add3A_567, %get3A_598 : vector<16xf32>
        %get3A_600 = arith.constant 0 : i32
        %get3A_601 = arith.index_cast %get3A_600 : i32 to index
        %get3A_602 = arith.index_cast %add3A_592 : i32 to index
        %get3A_603 = arith.constant 16 : index
        %get3A_604 = tpu.vector_load %arg7[%get3A_601, %get3A_602, %get3A_603] {strides = array<i32>} : memref<4x200x64xf32, #tpu.memory_space<vmem>>, vector<1x1x16xf32>,
        %get3A_605 = vector.shape_cast %get3A_604 : vector<1x1x16xf32> to vector<16xf32>
        %add3A_606 = arith.addf %add3A_574, %get3A_605 : vector<16xf32>
        %get3A_607 = arith.constant 0 : i32
        %get3A_608 = arith.index_cast %get3A_607 : i32 to index
        %get3A_609 = arith.index_cast %add3A_592 : i32 to index
        %get3A_610 = arith.constant 32 : index
        %get3A_611 = tpu.vector_load %arg7[%get3A_608, %get3A_609, %get3A_610] {strides = array<i32>} : memref<4x200x64xf32, #tpu.memory_space<vmem>>, vector<1x1x16xf32>,
        %get3A_612 = vector.shape_cast %get3A_611 : vector<1x1x16xf32> to vector<16xf32>
        %add3A_613 = arith.addf %add3A_581, %get3A_612 : vector<16xf32>
        %get3A_614 = arith.constant 0 : i32
        %get3A_615 = arith.index_cast %get3A_614 : i32 to index
        %get3A_616 = arith.index_cast %add3A_592 : i32 to index
        %get3A_617 = arith.constant 48 : index
        %get3A_618 = tpu.vector_load %arg7[%get3A_615, %get3A_616, %get3A_617] {strides = array<i32>} : memref<4x200x64xf32, #tpu.memory_space<vmem>>, vector<1x1x16xf32>,
        %get3A_619 = vector.shape_cast %get3A_618 : vector<1x1x16xf32> to vector<16xf32>
        %add3A_620 = arith.addf %add3A_588, %get3A_619 : vector<16xf32>
        %mul3A_621 = arith.constant 4 : i32
        %mul3A_622 = arith.muli %scan3A_552, %mul3A_621 : i32
        %add3A_623 = arith.constant 2 : i32
        %add3A_624 = arith.addi %mul3A_622, %add3A_623 : i32
        %get3A_625 = arith.constant 0 : i32
        %get3A_626 = arith.index_cast %get3A_625 : i32 to index
        %get3A_627 = arith.index_cast %add3A_624 : i32 to index
        %get3A_628 = arith.constant 0 : index
        %get3A_629 = tpu.vector_load %arg7[%get3A_626, %get3A_627, %get3A_628] {strides = array<i32>} : memref<4x200x64xf32, #tpu.memory_space<vmem>>, vector<1x1x16xf32>,
        %get3A_630 = vector.shape_cast %get3A_629 : vector<1x1x16xf32> to vector<16xf32>
        %add3A_631 = arith.addf %add3A_599, %get3A_630 : vector<16xf32>
        %get3A_632 = arith.constant 0 : i32
        %get3A_633 = arith.index_cast %get3A_632 : i32 to index
        %get3A_634 = arith.index_cast %add3A_624 : i32 to index
        %get3A_635 = arith.constant 16 : index
        %get3A_636 = tpu.vector_load %arg7[%get3A_633, %get3A_634, %get3A_635] {strides = array<i32>} : memref<4x200x64xf32, #tpu.memory_space<vmem>>, vector<1x1x16xf32>,
        %get3A_637 = vector.shape_cast %get3A_636 : vector<1x1x16xf32> to vector<16xf32>
        %add3A_638 = arith.addf %add3A_606, %get3A_637 : vector<16xf32>
        %get3A_639 = arith.constant 0 : i32
        %get3A_640 = arith.index_cast %get3A_639 : i32 to index
        %get3A_641 = arith.index_cast %add3A_624 : i32 to index
        %get3A_642 = arith.constant 32 : index
        %get3A_643 = tpu.vector_load %arg7[%get3A_640, %get3A_641, %get3A_642] {strides = array<i32>} : memref<4x200x64xf32, #tpu.memory_space<vmem>>, vector<1x1x16xf32>,
        %get3A_644 = vector.shape_cast %get3A_643 : vector<1x1x16xf32> to vector<16xf32>
        %add3A_645 = arith.addf %add3A_613, %get3A_644 : vector<16xf32>
        %get3A_646 = arith.constant 0 : i32
        %get3A_647 = arith.index_cast %get3A_646 : i32 to index
        %get3A_648 = arith.index_cast %add3A_624 : i32 to index
        %get3A_649 = arith.constant 48 : index
        %get3A_650 = tpu.vector_load %arg7[%get3A_647, %get3A_648, %get3A_649] {strides = array<i32>} : memref<4x200x64xf32, #tpu.memory_space<vmem>>, vector<1x1x16xf32>,
        %get3A_651 = vector.shape_cast %get3A_650 : vector<1x1x16xf32> to vector<16xf32>
        %add3A_652 = arith.addf %add3A_620, %get3A_651 : vector<16xf32>
        %mul3A_653 = arith.constant 4 : i32
        %mul3A_654 = arith.muli %scan3A_552, %mul3A_653 : i32
        %add3A_655 = arith.constant 3 : i32
        %add3A_656 = arith.addi %mul3A_654, %add3A_655 : i32
        %get3A_657 = arith.constant 0 : i32
        %get3A_658 = arith.index_cast %get3A_657 : i32 to index
        %get3A_659 = arith.index_cast %add3A_656 : i32 to index
        %get3A_660 = arith.constant 0 : index
        %get3A_661 = tpu.vector_load %arg7[%get3A_658, %get3A_659, %get3A_660] {strides = array<i32>} : memref<4x200x64xf32, #tpu.memory_space<vmem>>, vector<1x1x16xf32>,
        %get3A_662 = vector.shape_cast %get3A_661 : vector<1x1x16xf32> to vector<16xf32>
        %add3A_663 = arith.addf %add3A_631, %get3A_662 : vector<16xf32>
        %get3A_664 = arith.constant 0 : i32
        %get3A_665 = arith.index_cast %get3A_664 : i32 to index
        %get3A_666 = arith.index_cast %add3A_656 : i32 to index
        %get3A_667 = arith.constant 16 : index
        %get3A_668 = tpu.vector_load %arg7[%get3A_665, %get3A_666, %get3A_667] {strides = array<i32>} : memref<4x200x64xf32, #tpu.memory_space<vmem>>, vector<1x1x16xf32>,
        %get3A_669 = vector.shape_cast %get3A_668 : vector<1x1x16xf32> to vector<16xf32>
        %add3A_670 = arith.addf %add3A_638, %get3A_669 : vector<16xf32>
        %get3A_671 = arith.constant 0 : i32
        %get3A_672 = arith.index_cast %get3A_671 : i32 to index
        %get3A_673 = arith.index_cast %add3A_656 : i32 to index
        %get3A_674 = arith.constant 32 : index
        %get3A_675 = tpu.vector_load %arg7[%get3A_672, %get3A_673, %get3A_674] {strides = array<i32>} : memref<4x200x64xf32, #tpu.memory_space<vmem>>, vector<1x1x16xf32>,
        %get3A_676 = vector.shape_cast %get3A_675 : vector<1x1x16xf32> to vector<16xf32>
        %add3A_677 = arith.addf %add3A_645, %get3A_676 : vector<16xf32>
        %get3A_678 = arith.constant 0 : i32
        %get3A_679 = arith.index_cast %get3A_678 : i32 to index
        %get3A_680 = arith.index_cast %add3A_656 : i32 to index
        %get3A_681 = arith.constant 48 : index
        %get3A_682 = tpu.vector_load %arg7[%get3A_679, %get3A_680, %get3A_681] {strides = array<i32>} : memref<4x200x64xf32, #tpu.memory_space<vmem>>, vector<1x1x16xf32>,
        %get3A_683 = vector.shape_cast %get3A_682 : vector<1x1x16xf32> to vector<16xf32>
        %add3A_684 = arith.addf %add3A_652, %get3A_683 : vector<16xf32>
        scf.yield %add3A_663, %add3A_670, %add3A_677, %add3A_684 : vector<16xf32>, vector<16xf32>, vector<16xf32>, vector<16xf32>
      }
      %scan3A_226 = arith.constant 50 : i32
      %mul3A_227 = arith.constant 5.000000e-03 : f32
      %mul3A_228 = vector.broadcast %mul3A_227 : f32 to vector<16xf32>
      %mul3A_229 = arith.mulf %scan3A_225#0, %mul3A_228 : vector<16xf32>
      %swap3A_230 = arith.index_cast %add3A_219 : i32 to index
      %swap3A_231 = arith.constant 0 : index
      %swap3A_232 = tpu.vector_load %arg8[%swap3A_230, %swap3A_231] {strides = array<i32>} : memref<128x128xf32, #tpu.memory_space<vmem>>, vector<1x16xf32>,
      %swap3A_233 = vector.shape_cast %swap3A_232 : vector<1x16xf32> to vector<16xf32>
      %swap3A_234 = vector.shape_cast %mul3A_229 : vector<16xf32> to vector<1x16xf32>
      tpu.vector_store %arg8[%swap3A_230, %swap3A_231], %swap3A_234 {strides = array<i32>} : memref<128x128xf32, #tpu.memory_space<vmem>>, vector<1x16xf32>,
      %mul3A_235 = arith.constant 5.000000e-03 : f32
      %mul3A_236 = vector.broadcast %mul3A_235 : f32 to vector<16xf32>
      %mul3A_237 = arith.mulf %scan3A_225#1, %mul3A_236 : vector<16xf32>
      %swap3A_238 = arith.index_cast %add3A_219 : i32 to index
      %swap3A_239 = arith.constant 16 : index
      %swap3A_240 = tpu.vector_load %arg8[%swap3A_238, %swap3A_239] {strides = array<i32>} : memref<128x128xf32, #tpu.memory_space<vmem>>, vector<1x16xf32>,
      %swap3A_241 = vector.shape_cast %swap3A_240 : vector<1x16xf32> to vector<16xf32>
      %swap3A_242 = vector.shape_cast %mul3A_237 : vector<16xf32> to vector<1x16xf32>
      tpu.vector_store %arg8[%swap3A_238, %swap3A_239], %swap3A_242 {strides = array<i32>} : memref<128x128xf32, #tpu.memory_space<vmem>>, vector<1x16xf32>,
      %mul3A_243 = arith.constant 5.000000e-03 : f32
      %mul3A_244 = vector.broadcast %mul3A_243 : f32 to vector<16xf32>
      %mul3A_245 = arith.mulf %scan3A_225#2, %mul3A_244 : vector<16xf32>
      %swap3A_246 = arith.index_cast %add3A_219 : i32 to index
      %swap3A_247 = arith.constant 32 : index
      %swap3A_248 = tpu.vector_load %arg8[%swap3A_246, %swap3A_247] {strides = array<i32>} : memref<128x128xf32, #tpu.memory_space<vmem>>, vector<1x16xf32>,
      %swap3A_249 = vector.shape_cast %swap3A_248 : vector<1x16xf32> to vector<16xf32>
      %swap3A_250 = vector.shape_cast %mul3A_245 : vector<16xf32> to vector<1x16xf32>
      tpu.vector_store %arg8[%swap3A_246, %swap3A_247], %swap3A_250 {strides = array<i32>} : memref<128x128xf32, #tpu.memory_space<vmem>>, vector<1x16xf32>,
      %mul3A_251 = arith.constant 5.000000e-03 : f32
      %mul3A_252 = vector.broadcast %mul3A_251 : f32 to vector<16xf32>
      %mul3A_253 = arith.mulf %scan3A_225#3, %mul3A_252 : vector<16xf32>
      %swap3A_254 = arith.index_cast %add3A_219 : i32 to index
      %swap3A_255 = arith.constant 48 : index
      %swap3A_256 = tpu.vector_load %arg8[%swap3A_254, %swap3A_255] {strides = array<i32>} : memref<128x128xf32, #tpu.memory_space<vmem>>, vector<1x16xf32>,
      %swap3A_257 = vector.shape_cast %swap3A_256 : vector<1x16xf32> to vector<16xf32>
      %swap3A_258 = vector.shape_cast %mul3A_253 : vector<16xf32> to vector<1x16xf32>
      tpu.vector_store %arg8[%swap3A_254, %swap3A_255], %swap3A_258 {strides = array<i32>} : memref<128x128xf32, #tpu.memory_space<vmem>>, vector<1x16xf32>,
      %lt3A = arith.constant 124 : i32
      %lt3A_259 = arith.cmpi slt, %add3A_177, %lt3A : i32
      %convert_element_type3A = arith.extui %lt3A_259 : i1 to i32
      %cond3A = arith.constant 0 : i32
      %cond3A_260 = arith.cmpi ne, %convert_element_type3A, %cond3A : i32
      scf.if %cond3A_260 {
        %add3A_552 = arith.constant 4 : i32
        %add3A_553 = arith.addi %add3A_177, %add3A_552 : i32
        %mul3A_554 = arith.constant 200 : i32
        %mul3A_555 = arith.muli %add3A_553, %mul3A_554 : i32
        %dma_start3A_556 = arith.constant 0 : i32
        %dma_start3A_557 = arith.constant 0 : i32
        %dma_start3A_558 = arith.constant 0 : i32
        %dma_start3A_559 = tpu.memref_slice %arg7[%dma_start3A_556, %dma_start3A_557, %dma_start3A_558] : memref<4x200x64xf32, #tpu.memory_space<vmem>> -> memref<1x128x64xf32, #tpu.memory_space<vmem>>
        %dma_start3A_560 = tpu.memref_squeeze %dma_start3A_559 : memref<1x128x64xf32, #tpu.memory_space<vmem>> -> memref<128x64xf32, #tpu.memory_space<vmem>>
        %dma_start3A_561 = tpu.memref_slice %arg6[%mul3A_555] : memref<25600xi32, #tpu.memory_space<vmem>> -> memref<128xi32, #tpu.memory_space<vmem>>
        %dma_start3A_562 = arith.constant 0 : i32
        %dma_start3A_563 = arith.constant 0 : i32
        %dma_start3A_564 = tpu.memref_slice %arg4[%dma_start3A_562, %dma_start3A_563] : memref<2007040x64xf32, #tpu.memory_space<hbm>> -> memref<2007040x64xf32, #tpu.memory_space<hbm>>
        tpu.enqueue_indirect_dma source(%dma_start3A_564 : memref<2007040x64xf32, #tpu.memory_space<hbm>>) target(%dma_start3A_560 : memref<128x64xf32, #tpu.memory_space<vmem>>) offsets(%dma_start3A_561 : memref<128xi32, #tpu.memory_space<vmem>>) semaphore(%arg11 : memref<!tpu.dma_semaphore, #tpu.memory_space<semaphore_mem>>)
        %mul3A_565 = arith.constant 200 : i32
        %mul3A_566 = arith.muli %add3A_553, %mul3A_565 : i32
        %add3A_567 = arith.constant 128 : i32
        %add3A_568 = arith.addi %mul3A_566, %add3A_567 : i32
        %dma_start3A_569 = arith.constant 0 : i32
        %dma_start3A_570 = arith.constant 128 : i32
        %dma_start3A_571 = arith.constant 0 : i32
        %dma_start3A_572 = tpu.memref_slice %arg7[%dma_start3A_569, %dma_start3A_570, %dma_start3A_571] : memref<4x200x64xf32, #tpu.memory_space<vmem>> -> memref<1x72x64xf32, #tpu.memory_space<vmem>>
        %dma_start3A_573 = tpu.memref_squeeze %dma_start3A_572 : memref<1x72x64xf32, #tpu.memory_space<vmem>> -> memref<72x64xf32, #tpu.memory_space<vmem>>
        %dma_start3A_574 = tpu.memref_slice %arg6[%add3A_568] : memref<25600xi32, #tpu.memory_space<vmem>> -> memref<72xi32, #tpu.memory_space<vmem>>
        %dma_start3A_575 = arith.constant 0 : i32
        %dma_start3A_576 = arith.constant 0 : i32
        %dma_start3A_577 = tpu.memref_slice %arg4[%dma_start3A_575, %dma_start3A_576] : memref<2007040x64xf32, #tpu.memory_space<hbm>> -> memref<2007040x64xf32, #tpu.memory_space<hbm>>
        tpu.enqueue_indirect_dma source(%dma_start3A_577 : memref<2007040x64xf32, #tpu.memory_space<hbm>>) target(%dma_start3A_573 : memref<72x64xf32, #tpu.memory_space<vmem>>) offsets(%dma_start3A_574 : memref<72xi32, #tpu.memory_space<vmem>>) semaphore(%arg11 : memref<!tpu.dma_semaphore, #tpu.memory_space<semaphore_mem>>)
      } else {
      }
      %add3A_261 = arith.constant 1 : i32
      %add3A_262 = arith.addi %add3A_175, %add3A_261 : i32
      %mul3A_263 = arith.constant 200 : i32
      %mul3A_264 = arith.muli %add3A_262, %mul3A_263 : i32
      %dma_wait3A_265 = arith.constant 1 : i32
      %dma_wait3A_266 = arith.constant 0 : i32
      %dma_wait3A_267 = arith.constant 0 : i32
      %dma_wait3A_268 = tpu.memref_slice %arg7[%dma_wait3A_265, %dma_wait3A_266, %dma_wait3A_267] : memref<4x200x64xf32, #tpu.memory_space<vmem>> -> memref<1x128x64xf32, #tpu.memory_space<vmem>>
      %dma_wait3A_269 = tpu.memref_squeeze %dma_wait3A_268 : memref<1x128x64xf32, #tpu.memory_space<vmem>> -> memref<128x64xf32, #tpu.memory_space<vmem>>
      %dma_wait3A_270 = tpu.memref_slice %arg6[%mul3A_264] : memref<25600xi32, #tpu.memory_space<vmem>> -> memref<128xi32, #tpu.memory_space<vmem>>
      %dma_wait3A_271 = arith.constant 0 : i32
      %dma_wait3A_272 = arith.constant 0 : i32
      %dma_wait3A_273 = tpu.memref_slice %arg4[%dma_wait3A_271, %dma_wait3A_272] : memref<2007040x64xf32, #tpu.memory_space<hbm>> -> memref<2007040x64xf32, #tpu.memory_space<hbm>>
      tpu.wait_indirect_dma semaphore(%arg12 : memref<!tpu.dma_semaphore, #tpu.memory_space<semaphore_mem>>) src(%dma_wait3A_273 : memref<2007040x64xf32, #tpu.memory_space<hbm>>) dst(%dma_wait3A_269 : memref<128x64xf32, #tpu.memory_space<vmem>>)
      %mul3A_274 = arith.constant 200 : i32
      %mul3A_275 = arith.muli %add3A_262, %mul3A_274 : i32
      %add3A_276 = arith.constant 128 : i32
      %add3A_277 = arith.addi %mul3A_275, %add3A_276 : i32
      %dma_wait3A_278 = arith.constant 1 : i32
      %dma_wait3A_279 = arith.constant 128 : i32
      %dma_wait3A_280 = arith.constant 0 : i32
      %dma_wait3A_281 = tpu.memref_slice %arg7[%dma_wait3A_278, %dma_wait3A_279, %dma_wait3A_280] : memref<4x200x64xf32, #tpu.memory_space<vmem>> -> memref<1x72x64xf32, #tpu.memory_space<vmem>>
      %dma_wait3A_282 = tpu.memref_squeeze %dma_wait3A_281 : memref<1x72x64xf32, #tpu.memory_space<vmem>> -> memref<72x64xf32, #tpu.memory_space<vmem>>
      %dma_wait3A_283 = tpu.memref_slice %arg6[%add3A_277] : memref<25600xi32, #tpu.memory_space<vmem>> -> memref<72xi32, #tpu.memory_space<vmem>>
      %dma_wait3A_284 = arith.constant 0 : i32
      %dma_wait3A_285 = arith.constant 0 : i32
      %dma_wait3A_286 = tpu.memref_slice %arg4[%dma_wait3A_284, %dma_wait3A_285] : memref<2007040x64xf32, #tpu.memory_space<hbm>> -> memref<2007040x64xf32, #tpu.memory_space<hbm>>
      tpu.wait_indirect_dma semaphore(%arg12 : memref<!tpu.dma_semaphore, #tpu.memory_space<semaphore_mem>>) src(%dma_wait3A_286 : memref<2007040x64xf32, #tpu.memory_space<hbm>>) dst(%dma_wait3A_282 : memref<72x64xf32, #tpu.memory_space<vmem>>)
      %jit3A_287 = arith.constant 2 : i32
      %div3A_288 = arith.divsi %add3A_175, %jit3A_287 : i32
      %sign3A_289 = arith.constant 0 : i32
      %sign3A_290 = arith.cmpi sgt, %add3A_175, %sign3A_289 : i32
      %sign3A_291 = arith.extui %sign3A_290 : i1 to i32
      %sign3A_292 = arith.constant 0 : i32
      %sign3A_293 = arith.cmpi slt, %add3A_175, %sign3A_292 : i32
      %sign3A_294 = arith.extui %sign3A_293 : i1 to i32
      %sign3A_295 = arith.subi %sign3A_291, %sign3A_294 : i32
      %sign3A_296 = arith.constant 0 : i32
      %sign3A_297 = arith.cmpi sgt, %jit3A_287, %sign3A_296 : i32
      %sign3A_298 = arith.extui %sign3A_297 : i1 to i32
      %sign3A_299 = arith.constant 0 : i32
      %sign3A_300 = arith.cmpi slt, %jit3A_287, %sign3A_299 : i32
      %sign3A_301 = arith.extui %sign3A_300 : i1 to i32
      %sign3A_302 = arith.subi %sign3A_298, %sign3A_301 : i32
      %ne3A_303 = arith.cmpi ne, %sign3A_295, %sign3A_302 : i32
      %rem3A_304 = arith.remsi %add3A_175, %jit3A_287 : i32
      %ne3A_305 = arith.constant 0 : i32
      %ne3A_306 = arith.cmpi ne, %rem3A_304, %ne3A_305 : i32
      %and3A_307 = arith.andi %ne3A_303, %ne3A_306 : i1
      %sub3A_308 = arith.constant 1 : i32
      %sub3A_309 = arith.subi %div3A_288, %sub3A_308 : i32
      %select_n3A_310 = arith.select %and3A_307, %sub3A_309, %div3A_288 : i32
      %add3A_311 = arith.constant 0 : i32
      %add3A_312 = arith.addi %select_n3A_310, %add3A_311 : i32
      %broadcast_in_dim3A_313 = arith.constant 0.000000e+00 : f32
      %broadcast_in_dim3A_314 = vector.broadcast %broadcast_in_dim3A_313 : f32 to vector<16xf32>
      %scan3A_315 = arith.constant 0 : i32
      %scan3A_316 = arith.constant 50 : i32
      %scan3A_317 = arith.addi %scan3A_315, %scan3A_316 : i32
      %scan3A_318 = arith.constant 1 : i32
      %scan3A_319:4 = scf.for %scan3A_552 = %scan3A_315 to %scan3A_317 step %scan3A_318 iter_args(%scan3A_553 = %broadcast_in_dim3A_314, %scan3A_554 = %broadcast_in_dim3A_314, %scan3A_555 = %broadcast_in_dim3A_314, %scan3A_556 = %broadcast_in_dim3A_314) -> (vector<16xf32>, vector<16xf32>, vector<16xf32>, vector<16xf32>)  : i32 {
        %mul3A_557 = arith.constant 4 : i32
        %mul3A_558 = arith.muli %scan3A_552, %mul3A_557 : i32
        %add3A_559 = arith.constant 0 : i32
        %add3A_560 = arith.addi %mul3A_558, %add3A_559 : i32
        %get3A_561 = arith.constant 1 : i32
        %get3A_562 = arith.index_cast %get3A_561 : i32 to index
        %get3A_563 = arith.index_cast %add3A_560 : i32 to index
        %get3A_564 = arith.constant 0 : index
        %get3A_565 = tpu.vector_load %arg7[%get3A_562, %get3A_563, %get3A_564] {strides = array<i32>} : memref<4x200x64xf32, #tpu.memory_space<vmem>>, vector<1x1x16xf32>,
        %get3A_566 = vector.shape_cast %get3A_565 : vector<1x1x16xf32> to vector<16xf32>
        %add3A_567 = arith.addf %scan3A_553, %get3A_566 : vector<16xf32>
        %get3A_568 = arith.constant 1 : i32
        %get3A_569 = arith.index_cast %get3A_568 : i32 to index
        %get3A_570 = arith.index_cast %add3A_560 : i32 to index
        %get3A_571 = arith.constant 16 : index
        %get3A_572 = tpu.vector_load %arg7[%get3A_569, %get3A_570, %get3A_571] {strides = array<i32>} : memref<4x200x64xf32, #tpu.memory_space<vmem>>, vector<1x1x16xf32>,
        %get3A_573 = vector.shape_cast %get3A_572 : vector<1x1x16xf32> to vector<16xf32>
        %add3A_574 = arith.addf %scan3A_554, %get3A_573 : vector<16xf32>
        %get3A_575 = arith.constant 1 : i32
        %get3A_576 = arith.index_cast %get3A_575 : i32 to index
        %get3A_577 = arith.index_cast %add3A_560 : i32 to index
        %get3A_578 = arith.constant 32 : index
        %get3A_579 = tpu.vector_load %arg7[%get3A_576, %get3A_577, %get3A_578] {strides = array<i32>} : memref<4x200x64xf32, #tpu.memory_space<vmem>>, vector<1x1x16xf32>,
        %get3A_580 = vector.shape_cast %get3A_579 : vector<1x1x16xf32> to vector<16xf32>
        %add3A_581 = arith.addf %scan3A_555, %get3A_580 : vector<16xf32>
        %get3A_582 = arith.constant 1 : i32
        %get3A_583 = arith.index_cast %get3A_582 : i32 to index
        %get3A_584 = arith.index_cast %add3A_560 : i32 to index
        %get3A_585 = arith.constant 48 : index
        %get3A_586 = tpu.vector_load %arg7[%get3A_583, %get3A_584, %get3A_585] {strides = array<i32>} : memref<4x200x64xf32, #tpu.memory_space<vmem>>, vector<1x1x16xf32>,
        %get3A_587 = vector.shape_cast %get3A_586 : vector<1x1x16xf32> to vector<16xf32>
        %add3A_588 = arith.addf %scan3A_556, %get3A_587 : vector<16xf32>
        %mul3A_589 = arith.constant 4 : i32
        %mul3A_590 = arith.muli %scan3A_552, %mul3A_589 : i32
        %add3A_591 = arith.constant 1 : i32
        %add3A_592 = arith.addi %mul3A_590, %add3A_591 : i32
        %get3A_593 = arith.constant 1 : i32
        %get3A_594 = arith.index_cast %get3A_593 : i32 to index
        %get3A_595 = arith.index_cast %add3A_592 : i32 to index
        %get3A_596 = arith.constant 0 : index
        %get3A_597 = tpu.vector_load %arg7[%get3A_594, %get3A_595, %get3A_596] {strides = array<i32>} : memref<4x200x64xf32, #tpu.memory_space<vmem>>, vector<1x1x16xf32>,
        %get3A_598 = vector.shape_cast %get3A_597 : vector<1x1x16xf32> to vector<16xf32>
        %add3A_599 = arith.addf %add3A_567, %get3A_598 : vector<16xf32>
        %get3A_600 = arith.constant 1 : i32
        %get3A_601 = arith.index_cast %get3A_600 : i32 to index
        %get3A_602 = arith.index_cast %add3A_592 : i32 to index
        %get3A_603 = arith.constant 16 : index
        %get3A_604 = tpu.vector_load %arg7[%get3A_601, %get3A_602, %get3A_603] {strides = array<i32>} : memref<4x200x64xf32, #tpu.memory_space<vmem>>, vector<1x1x16xf32>,
        %get3A_605 = vector.shape_cast %get3A_604 : vector<1x1x16xf32> to vector<16xf32>
        %add3A_606 = arith.addf %add3A_574, %get3A_605 : vector<16xf32>
        %get3A_607 = arith.constant 1 : i32
        %get3A_608 = arith.index_cast %get3A_607 : i32 to index
        %get3A_609 = arith.index_cast %add3A_592 : i32 to index
        %get3A_610 = arith.constant 32 : index
        %get3A_611 = tpu.vector_load %arg7[%get3A_608, %get3A_609, %get3A_610] {strides = array<i32>} : memref<4x200x64xf32, #tpu.memory_space<vmem>>, vector<1x1x16xf32>,
        %get3A_612 = vector.shape_cast %get3A_611 : vector<1x1x16xf32> to vector<16xf32>
        %add3A_613 = arith.addf %add3A_581, %get3A_612 : vector<16xf32>
        %get3A_614 = arith.constant 1 : i32
        %get3A_615 = arith.index_cast %get3A_614 : i32 to index
        %get3A_616 = arith.index_cast %add3A_592 : i32 to index
        %get3A_617 = arith.constant 48 : index
        %get3A_618 = tpu.vector_load %arg7[%get3A_615, %get3A_616, %get3A_617] {strides = array<i32>} : memref<4x200x64xf32, #tpu.memory_space<vmem>>, vector<1x1x16xf32>,
        %get3A_619 = vector.shape_cast %get3A_618 : vector<1x1x16xf32> to vector<16xf32>
        %add3A_620 = arith.addf %add3A_588, %get3A_619 : vector<16xf32>
        %mul3A_621 = arith.constant 4 : i32
        %mul3A_622 = arith.muli %scan3A_552, %mul3A_621 : i32
        %add3A_623 = arith.constant 2 : i32
        %add3A_624 = arith.addi %mul3A_622, %add3A_623 : i32
        %get3A_625 = arith.constant 1 : i32
        %get3A_626 = arith.index_cast %get3A_625 : i32 to index
        %get3A_627 = arith.index_cast %add3A_624 : i32 to index
        %get3A_628 = arith.constant 0 : index
        %get3A_629 = tpu.vector_load %arg7[%get3A_626, %get3A_627, %get3A_628] {strides = array<i32>} : memref<4x200x64xf32, #tpu.memory_space<vmem>>, vector<1x1x16xf32>,
        %get3A_630 = vector.shape_cast %get3A_629 : vector<1x1x16xf32> to vector<16xf32>
        %add3A_631 = arith.addf %add3A_599, %get3A_630 : vector<16xf32>
        %get3A_632 = arith.constant 1 : i32
        %get3A_633 = arith.index_cast %get3A_632 : i32 to index
        %get3A_634 = arith.index_cast %add3A_624 : i32 to index
        %get3A_635 = arith.constant 16 : index
        %get3A_636 = tpu.vector_load %arg7[%get3A_633, %get3A_634, %get3A_635] {strides = array<i32>} : memref<4x200x64xf32, #tpu.memory_space<vmem>>, vector<1x1x16xf32>,
        %get3A_637 = vector.shape_cast %get3A_636 : vector<1x1x16xf32> to vector<16xf32>
        %add3A_638 = arith.addf %add3A_606, %get3A_637 : vector<16xf32>
        %get3A_639 = arith.constant 1 : i32
        %get3A_640 = arith.index_cast %get3A_639 : i32 to index
        %get3A_641 = arith.index_cast %add3A_624 : i32 to index
        %get3A_642 = arith.constant 32 : index
        %get3A_643 = tpu.vector_load %arg7[%get3A_640, %get3A_641, %get3A_642] {strides = array<i32>} : memref<4x200x64xf32, #tpu.memory_space<vmem>>, vector<1x1x16xf32>,
        %get3A_644 = vector.shape_cast %get3A_643 : vector<1x1x16xf32> to vector<16xf32>
        %add3A_645 = arith.addf %add3A_613, %get3A_644 : vector<16xf32>
        %get3A_646 = arith.constant 1 : i32
        %get3A_647 = arith.index_cast %get3A_646 : i32 to index
        %get3A_648 = arith.index_cast %add3A_624 : i32 to index
        %get3A_649 = arith.constant 48 : index
        %get3A_650 = tpu.vector_load %arg7[%get3A_647, %get3A_648, %get3A_649] {strides = array<i32>} : memref<4x200x64xf32, #tpu.memory_space<vmem>>, vector<1x1x16xf32>,
        %get3A_651 = vector.shape_cast %get3A_650 : vector<1x1x16xf32> to vector<16xf32>
        %add3A_652 = arith.addf %add3A_620, %get3A_651 : vector<16xf32>
        %mul3A_653 = arith.constant 4 : i32
        %mul3A_654 = arith.muli %scan3A_552, %mul3A_653 : i32
        %add3A_655 = arith.constant 3 : i32
        %add3A_656 = arith.addi %mul3A_654, %add3A_655 : i32
        %get3A_657 = arith.constant 1 : i32
        %get3A_658 = arith.index_cast %get3A_657 : i32 to index
        %get3A_659 = arith.index_cast %add3A_656 : i32 to index
        %get3A_660 = arith.constant 0 : index
        %get3A_661 = tpu.vector_load %arg7[%get3A_658, %get3A_659, %get3A_660] {strides = array<i32>} : memref<4x200x64xf32, #tpu.memory_space<vmem>>, vector<1x1x16xf32>,
        %get3A_662 = vector.shape_cast %get3A_661 : vector<1x1x16xf32> to vector<16xf32>
        %add3A_663 = arith.addf %add3A_631, %get3A_662 : vector<16xf32>
        %get3A_664 = arith.constant 1 : i32
        %get3A_665 = arith.index_cast %get3A_664 : i32 to index
        %get3A_666 = arith.index_cast %add3A_656 : i32 to index
        %get3A_667 = arith.constant 16 : index
        %get3A_668 = tpu.vector_load %arg7[%get3A_665, %get3A_666, %get3A_667] {strides = array<i32>} : memref<4x200x64xf32, #tpu.memory_space<vmem>>, vector<1x1x16xf32>,
        %get3A_669 = vector.shape_cast %get3A_668 : vector<1x1x16xf32> to vector<16xf32>
        %add3A_670 = arith.addf %add3A_638, %get3A_669 : vector<16xf32>
        %get3A_671 = arith.constant 1 : i32
        %get3A_672 = arith.index_cast %get3A_671 : i32 to index
        %get3A_673 = arith.index_cast %add3A_656 : i32 to index
        %get3A_674 = arith.constant 32 : index
        %get3A_675 = tpu.vector_load %arg7[%get3A_672, %get3A_673, %get3A_674] {strides = array<i32>} : memref<4x200x64xf32, #tpu.memory_space<vmem>>, vector<1x1x16xf32>,
        %get3A_676 = vector.shape_cast %get3A_675 : vector<1x1x16xf32> to vector<16xf32>
        %add3A_677 = arith.addf %add3A_645, %get3A_676 : vector<16xf32>
        %get3A_678 = arith.constant 1 : i32
        %get3A_679 = arith.index_cast %get3A_678 : i32 to index
        %get3A_680 = arith.index_cast %add3A_656 : i32 to index
        %get3A_681 = arith.constant 48 : index
        %get3A_682 = tpu.vector_load %arg7[%get3A_679, %get3A_680, %get3A_681] {strides = array<i32>} : memref<4x200x64xf32, #tpu.memory_space<vmem>>, vector<1x1x16xf32>,
        %get3A_683 = vector.shape_cast %get3A_682 : vector<1x1x16xf32> to vector<16xf32>
        %add3A_684 = arith.addf %add3A_652, %get3A_683 : vector<16xf32>
        scf.yield %add3A_663, %add3A_670, %add3A_677, %add3A_684 : vector<16xf32>, vector<16xf32>, vector<16xf32>, vector<16xf32>
      }
      %scan3A_320 = arith.constant 50 : i32
      %mul3A_321 = arith.constant 5.000000e-03 : f32
      %mul3A_322 = vector.broadcast %mul3A_321 : f32 to vector<16xf32>
      %mul3A_323 = arith.mulf %scan3A_319#0, %mul3A_322 : vector<16xf32>
      %swap3A_324 = arith.index_cast %add3A_312 : i32 to index
      %swap3A_325 = arith.constant 64 : index
      %swap3A_326 = tpu.vector_load %arg8[%swap3A_324, %swap3A_325] {strides = array<i32>} : memref<128x128xf32, #tpu.memory_space<vmem>>, vector<1x16xf32>,
      %swap3A_327 = vector.shape_cast %swap3A_326 : vector<1x16xf32> to vector<16xf32>
      %swap3A_328 = vector.shape_cast %mul3A_323 : vector<16xf32> to vector<1x16xf32>
      tpu.vector_store %arg8[%swap3A_324, %swap3A_325], %swap3A_328 {strides = array<i32>} : memref<128x128xf32, #tpu.memory_space<vmem>>, vector<1x16xf32>,
      %mul3A_329 = arith.constant 5.000000e-03 : f32
      %mul3A_330 = vector.broadcast %mul3A_329 : f32 to vector<16xf32>
      %mul3A_331 = arith.mulf %scan3A_319#1, %mul3A_330 : vector<16xf32>
      %swap3A_332 = arith.index_cast %add3A_312 : i32 to index
      %swap3A_333 = arith.constant 80 : index
      %swap3A_334 = tpu.vector_load %arg8[%swap3A_332, %swap3A_333] {strides = array<i32>} : memref<128x128xf32, #tpu.memory_space<vmem>>, vector<1x16xf32>,
      %swap3A_335 = vector.shape_cast %swap3A_334 : vector<1x16xf32> to vector<16xf32>
      %swap3A_336 = vector.shape_cast %mul3A_331 : vector<16xf32> to vector<1x16xf32>
      tpu.vector_store %arg8[%swap3A_332, %swap3A_333], %swap3A_336 {strides = array<i32>} : memref<128x128xf32, #tpu.memory_space<vmem>>, vector<1x16xf32>,
      %mul3A_337 = arith.constant 5.000000e-03 : f32
      %mul3A_338 = vector.broadcast %mul3A_337 : f32 to vector<16xf32>
      %mul3A_339 = arith.mulf %scan3A_319#2, %mul3A_338 : vector<16xf32>
      %swap3A_340 = arith.index_cast %add3A_312 : i32 to index
      %swap3A_341 = arith.constant 96 : index
      %swap3A_342 = tpu.vector_load %arg8[%swap3A_340, %swap3A_341] {strides = array<i32>} : memref<128x128xf32, #tpu.memory_space<vmem>>, vector<1x16xf32>,
      %swap3A_343 = vector.shape_cast %swap3A_342 : vector<1x16xf32> to vector<16xf32>
      %swap3A_344 = vector.shape_cast %mul3A_339 : vector<16xf32> to vector<1x16xf32>
      tpu.vector_store %arg8[%swap3A_340, %swap3A_341], %swap3A_344 {strides = array<i32>} : memref<128x128xf32, #tpu.memory_space<vmem>>, vector<1x16xf32>,
      %mul3A_345 = arith.constant 5.000000e-03 : f32
      %mul3A_346 = vector.broadcast %mul3A_345 : f32 to vector<16xf32>
      %mul3A_347 = arith.mulf %scan3A_319#3, %mul3A_346 : vector<16xf32>
      %swap3A_348 = arith.index_cast %add3A_312 : i32 to index
      %swap3A_349 = arith.constant 112 : index
      %swap3A_350 = tpu.vector_load %arg8[%swap3A_348, %swap3A_349] {strides = array<i32>} : memref<128x128xf32, #tpu.memory_space<vmem>>, vector<1x16xf32>,
      %swap3A_351 = vector.shape_cast %swap3A_350 : vector<1x16xf32> to vector<16xf32>
      %swap3A_352 = vector.shape_cast %mul3A_347 : vector<16xf32> to vector<1x16xf32>
      tpu.vector_store %arg8[%swap3A_348, %swap3A_349], %swap3A_352 {strides = array<i32>} : memref<128x128xf32, #tpu.memory_space<vmem>>, vector<1x16xf32>,
      %lt3A_353 = arith.constant 124 : i32
      %lt3A_354 = arith.cmpi slt, %add3A_262, %lt3A_353 : i32
      %convert_element_type3A_355 = arith.extui %lt3A_354 : i1 to i32
      %cond3A_356 = arith.constant 0 : i32
      %cond3A_357 = arith.cmpi ne, %convert_element_type3A_355, %cond3A_356 : i32
      scf.if %cond3A_357 {
        %add3A_552 = arith.constant 4 : i32
        %add3A_553 = arith.addi %add3A_262, %add3A_552 : i32
        %mul3A_554 = arith.constant 200 : i32
        %mul3A_555 = arith.muli %add3A_553, %mul3A_554 : i32
        %dma_start3A_556 = arith.constant 1 : i32
        %dma_start3A_557 = arith.constant 0 : i32
        %dma_start3A_558 = arith.constant 0 : i32
        %dma_start3A_559 = tpu.memref_slice %arg7[%dma_start3A_556, %dma_start3A_557, %dma_start3A_558] : memref<4x200x64xf32, #tpu.memory_space<vmem>> -> memref<1x128x64xf32, #tpu.memory_space<vmem>>
        %dma_start3A_560 = tpu.memref_squeeze %dma_start3A_559 : memref<1x128x64xf32, #tpu.memory_space<vmem>> -> memref<128x64xf32, #tpu.memory_space<vmem>>
        %dma_start3A_561 = tpu.memref_slice %arg6[%mul3A_555] : memref<25600xi32, #tpu.memory_space<vmem>> -> memref<128xi32, #tpu.memory_space<vmem>>
        %dma_start3A_562 = arith.constant 0 : i32
        %dma_start3A_563 = arith.constant 0 : i32
        %dma_start3A_564 = tpu.memref_slice %arg4[%dma_start3A_562, %dma_start3A_563] : memref<2007040x64xf32, #tpu.memory_space<hbm>> -> memref<2007040x64xf32, #tpu.memory_space<hbm>>
        tpu.enqueue_indirect_dma source(%dma_start3A_564 : memref<2007040x64xf32, #tpu.memory_space<hbm>>) target(%dma_start3A_560 : memref<128x64xf32, #tpu.memory_space<vmem>>) offsets(%dma_start3A_561 : memref<128xi32, #tpu.memory_space<vmem>>) semaphore(%arg12 : memref<!tpu.dma_semaphore, #tpu.memory_space<semaphore_mem>>)
        %mul3A_565 = arith.constant 200 : i32
        %mul3A_566 = arith.muli %add3A_553, %mul3A_565 : i32
        %add3A_567 = arith.constant 128 : i32
        %add3A_568 = arith.addi %mul3A_566, %add3A_567 : i32
        %dma_start3A_569 = arith.constant 1 : i32
        %dma_start3A_570 = arith.constant 128 : i32
        %dma_start3A_571 = arith.constant 0 : i32
        %dma_start3A_572 = tpu.memref_slice %arg7[%dma_start3A_569, %dma_start3A_570, %dma_start3A_571] : memref<4x200x64xf32, #tpu.memory_space<vmem>> -> memref<1x72x64xf32, #tpu.memory_space<vmem>>
        %dma_start3A_573 = tpu.memref_squeeze %dma_start3A_572 : memref<1x72x64xf32, #tpu.memory_space<vmem>> -> memref<72x64xf32, #tpu.memory_space<vmem>>
        %dma_start3A_574 = tpu.memref_slice %arg6[%add3A_568] : memref<25600xi32, #tpu.memory_space<vmem>> -> memref<72xi32, #tpu.memory_space<vmem>>
        %dma_start3A_575 = arith.constant 0 : i32
        %dma_start3A_576 = arith.constant 0 : i32
        %dma_start3A_577 = tpu.memref_slice %arg4[%dma_start3A_575, %dma_start3A_576] : memref<2007040x64xf32, #tpu.memory_space<hbm>> -> memref<2007040x64xf32, #tpu.memory_space<hbm>>
        tpu.enqueue_indirect_dma source(%dma_start3A_577 : memref<2007040x64xf32, #tpu.memory_space<hbm>>) target(%dma_start3A_573 : memref<72x64xf32, #tpu.memory_space<vmem>>) offsets(%dma_start3A_574 : memref<72xi32, #tpu.memory_space<vmem>>) semaphore(%arg12 : memref<!tpu.dma_semaphore, #tpu.memory_space<semaphore_mem>>)
      } else {
      }
      %add3A_358 = arith.constant 2 : i32
      %add3A_359 = arith.addi %add3A_175, %add3A_358 : i32
      %mul3A_360 = arith.constant 200 : i32
      %mul3A_361 = arith.muli %add3A_359, %mul3A_360 : i32
      %dma_wait3A_362 = arith.constant 2 : i32
      %dma_wait3A_363 = arith.constant 0 : i32
      %dma_wait3A_364 = arith.constant 0 : i32
      %dma_wait3A_365 = tpu.memref_slice %arg7[%dma_wait3A_362, %dma_wait3A_363, %dma_wait3A_364] : memref<4x200x64xf32, #tpu.memory_space<vmem>> -> memref<1x128x64xf32, #tpu.memory_space<vmem>>
      %dma_wait3A_366 = tpu.memref_squeeze %dma_wait3A_365 : memref<1x128x64xf32, #tpu.memory_space<vmem>> -> memref<128x64xf32, #tpu.memory_space<vmem>>
      %dma_wait3A_367 = tpu.memref_slice %arg6[%mul3A_361] : memref<25600xi32, #tpu.memory_space<vmem>> -> memref<128xi32, #tpu.memory_space<vmem>>
      %dma_wait3A_368 = arith.constant 0 : i32
      %dma_wait3A_369 = arith.constant 0 : i32
      %dma_wait3A_370 = tpu.memref_slice %arg4[%dma_wait3A_368, %dma_wait3A_369] : memref<2007040x64xf32, #tpu.memory_space<hbm>> -> memref<2007040x64xf32, #tpu.memory_space<hbm>>
      tpu.wait_indirect_dma semaphore(%arg13 : memref<!tpu.dma_semaphore, #tpu.memory_space<semaphore_mem>>) src(%dma_wait3A_370 : memref<2007040x64xf32, #tpu.memory_space<hbm>>) dst(%dma_wait3A_366 : memref<128x64xf32, #tpu.memory_space<vmem>>)
      %mul3A_371 = arith.constant 200 : i32
      %mul3A_372 = arith.muli %add3A_359, %mul3A_371 : i32
      %add3A_373 = arith.constant 128 : i32
      %add3A_374 = arith.addi %mul3A_372, %add3A_373 : i32
      %dma_wait3A_375 = arith.constant 2 : i32
      %dma_wait3A_376 = arith.constant 128 : i32
      %dma_wait3A_377 = arith.constant 0 : i32
      %dma_wait3A_378 = tpu.memref_slice %arg7[%dma_wait3A_375, %dma_wait3A_376, %dma_wait3A_377] : memref<4x200x64xf32, #tpu.memory_space<vmem>> -> memref<1x72x64xf32, #tpu.memory_space<vmem>>
      %dma_wait3A_379 = tpu.memref_squeeze %dma_wait3A_378 : memref<1x72x64xf32, #tpu.memory_space<vmem>> -> memref<72x64xf32, #tpu.memory_space<vmem>>
      %dma_wait3A_380 = tpu.memref_slice %arg6[%add3A_374] : memref<25600xi32, #tpu.memory_space<vmem>> -> memref<72xi32, #tpu.memory_space<vmem>>
      %dma_wait3A_381 = arith.constant 0 : i32
      %dma_wait3A_382 = arith.constant 0 : i32
      %dma_wait3A_383 = tpu.memref_slice %arg4[%dma_wait3A_381, %dma_wait3A_382] : memref<2007040x64xf32, #tpu.memory_space<hbm>> -> memref<2007040x64xf32, #tpu.memory_space<hbm>>
      tpu.wait_indirect_dma semaphore(%arg13 : memref<!tpu.dma_semaphore, #tpu.memory_space<semaphore_mem>>) src(%dma_wait3A_383 : memref<2007040x64xf32, #tpu.memory_space<hbm>>) dst(%dma_wait3A_379 : memref<72x64xf32, #tpu.memory_space<vmem>>)
      %jit3A_384 = arith.constant 2 : i32
      %div3A_385 = arith.divsi %add3A_175, %jit3A_384 : i32
      %sign3A_386 = arith.constant 0 : i32
      %sign3A_387 = arith.cmpi sgt, %add3A_175, %sign3A_386 : i32
      %sign3A_388 = arith.extui %sign3A_387 : i1 to i32
      %sign3A_389 = arith.constant 0 : i32
      %sign3A_390 = arith.cmpi slt, %add3A_175, %sign3A_389 : i32
      %sign3A_391 = arith.extui %sign3A_390 : i1 to i32
      %sign3A_392 = arith.subi %sign3A_388, %sign3A_391 : i32
      %sign3A_393 = arith.constant 0 : i32
      %sign3A_394 = arith.cmpi sgt, %jit3A_384, %sign3A_393 : i32
      %sign3A_395 = arith.extui %sign3A_394 : i1 to i32
      %sign3A_396 = arith.constant 0 : i32
      %sign3A_397 = arith.cmpi slt, %jit3A_384, %sign3A_396 : i32
      %sign3A_398 = arith.extui %sign3A_397 : i1 to i32
      %sign3A_399 = arith.subi %sign3A_395, %sign3A_398 : i32
      %ne3A_400 = arith.cmpi ne, %sign3A_392, %sign3A_399 : i32
      %rem3A_401 = arith.remsi %add3A_175, %jit3A_384 : i32
      %ne3A_402 = arith.constant 0 : i32
      %ne3A_403 = arith.cmpi ne, %rem3A_401, %ne3A_402 : i32
      %and3A_404 = arith.andi %ne3A_400, %ne3A_403 : i1
      %sub3A_405 = arith.constant 1 : i32
      %sub3A_406 = arith.subi %div3A_385, %sub3A_405 : i32
      %select_n3A_407 = arith.select %and3A_404, %sub3A_406, %div3A_385 : i32
      %add3A_408 = arith.constant 1 : i32
      %add3A_409 = arith.addi %select_n3A_407, %add3A_408 : i32
      %broadcast_in_dim3A_410 = arith.constant 0.000000e+00 : f32
      %broadcast_in_dim3A_411 = vector.broadcast %broadcast_in_dim3A_410 : f32 to vector<16xf32>
      %scan3A_412 = arith.constant 0 : i32
      %scan3A_413 = arith.constant 50 : i32
      %scan3A_414 = arith.addi %scan3A_412, %scan3A_413 : i32
      %scan3A_415 = arith.constant 1 : i32
      %scan3A_416:4 = scf.for %scan3A_552 = %scan3A_412 to %scan3A_414 step %scan3A_415 iter_args(%scan3A_553 = %broadcast_in_dim3A_411, %scan3A_554 = %broadcast_in_dim3A_411, %scan3A_555 = %broadcast_in_dim3A_411, %scan3A_556 = %broadcast_in_dim3A_411) -> (vector<16xf32>, vector<16xf32>, vector<16xf32>, vector<16xf32>)  : i32 {
        %mul3A_557 = arith.constant 4 : i32
        %mul3A_558 = arith.muli %scan3A_552, %mul3A_557 : i32
        %add3A_559 = arith.constant 0 : i32
        %add3A_560 = arith.addi %mul3A_558, %add3A_559 : i32
        %get3A_561 = arith.constant 2 : i32
        %get3A_562 = arith.index_cast %get3A_561 : i32 to index
        %get3A_563 = arith.index_cast %add3A_560 : i32 to index
        %get3A_564 = arith.constant 0 : index
        %get3A_565 = tpu.vector_load %arg7[%get3A_562, %get3A_563, %get3A_564] {strides = array<i32>} : memref<4x200x64xf32, #tpu.memory_space<vmem>>, vector<1x1x16xf32>,
        %get3A_566 = vector.shape_cast %get3A_565 : vector<1x1x16xf32> to vector<16xf32>
        %add3A_567 = arith.addf %scan3A_553, %get3A_566 : vector<16xf32>
        %get3A_568 = arith.constant 2 : i32
        %get3A_569 = arith.index_cast %get3A_568 : i32 to index
        %get3A_570 = arith.index_cast %add3A_560 : i32 to index
        %get3A_571 = arith.constant 16 : index
        %get3A_572 = tpu.vector_load %arg7[%get3A_569, %get3A_570, %get3A_571] {strides = array<i32>} : memref<4x200x64xf32, #tpu.memory_space<vmem>>, vector<1x1x16xf32>,
        %get3A_573 = vector.shape_cast %get3A_572 : vector<1x1x16xf32> to vector<16xf32>
        %add3A_574 = arith.addf %scan3A_554, %get3A_573 : vector<16xf32>
        %get3A_575 = arith.constant 2 : i32
        %get3A_576 = arith.index_cast %get3A_575 : i32 to index
        %get3A_577 = arith.index_cast %add3A_560 : i32 to index
        %get3A_578 = arith.constant 32 : index
        %get3A_579 = tpu.vector_load %arg7[%get3A_576, %get3A_577, %get3A_578] {strides = array<i32>} : memref<4x200x64xf32, #tpu.memory_space<vmem>>, vector<1x1x16xf32>,
        %get3A_580 = vector.shape_cast %get3A_579 : vector<1x1x16xf32> to vector<16xf32>
        %add3A_581 = arith.addf %scan3A_555, %get3A_580 : vector<16xf32>
        %get3A_582 = arith.constant 2 : i32
        %get3A_583 = arith.index_cast %get3A_582 : i32 to index
        %get3A_584 = arith.index_cast %add3A_560 : i32 to index
        %get3A_585 = arith.constant 48 : index
        %get3A_586 = tpu.vector_load %arg7[%get3A_583, %get3A_584, %get3A_585] {strides = array<i32>} : memref<4x200x64xf32, #tpu.memory_space<vmem>>, vector<1x1x16xf32>,
        %get3A_587 = vector.shape_cast %get3A_586 : vector<1x1x16xf32> to vector<16xf32>
        %add3A_588 = arith.addf %scan3A_556, %get3A_587 : vector<16xf32>
        %mul3A_589 = arith.constant 4 : i32
        %mul3A_590 = arith.muli %scan3A_552, %mul3A_589 : i32
        %add3A_591 = arith.constant 1 : i32
        %add3A_592 = arith.addi %mul3A_590, %add3A_591 : i32
        %get3A_593 = arith.constant 2 : i32
        %get3A_594 = arith.index_cast %get3A_593 : i32 to index
        %get3A_595 = arith.index_cast %add3A_592 : i32 to index
        %get3A_596 = arith.constant 0 : index
        %get3A_597 = tpu.vector_load %arg7[%get3A_594, %get3A_595, %get3A_596] {strides = array<i32>} : memref<4x200x64xf32, #tpu.memory_space<vmem>>, vector<1x1x16xf32>,
        %get3A_598 = vector.shape_cast %get3A_597 : vector<1x1x16xf32> to vector<16xf32>
        %add3A_599 = arith.addf %add3A_567, %get3A_598 : vector<16xf32>
        %get3A_600 = arith.constant 2 : i32
        %get3A_601 = arith.index_cast %get3A_600 : i32 to index
        %get3A_602 = arith.index_cast %add3A_592 : i32 to index
        %get3A_603 = arith.constant 16 : index
        %get3A_604 = tpu.vector_load %arg7[%get3A_601, %get3A_602, %get3A_603] {strides = array<i32>} : memref<4x200x64xf32, #tpu.memory_space<vmem>>, vector<1x1x16xf32>,
        %get3A_605 = vector.shape_cast %get3A_604 : vector<1x1x16xf32> to vector<16xf32>
        %add3A_606 = arith.addf %add3A_574, %get3A_605 : vector<16xf32>
        %get3A_607 = arith.constant 2 : i32
        %get3A_608 = arith.index_cast %get3A_607 : i32 to index
        %get3A_609 = arith.index_cast %add3A_592 : i32 to index
        %get3A_610 = arith.constant 32 : index
        %get3A_611 = tpu.vector_load %arg7[%get3A_608, %get3A_609, %get3A_610] {strides = array<i32>} : memref<4x200x64xf32, #tpu.memory_space<vmem>>, vector<1x1x16xf32>,
        %get3A_612 = vector.shape_cast %get3A_611 : vector<1x1x16xf32> to vector<16xf32>
        %add3A_613 = arith.addf %add3A_581, %get3A_612 : vector<16xf32>
        %get3A_614 = arith.constant 2 : i32
        %get3A_615 = arith.index_cast %get3A_614 : i32 to index
        %get3A_616 = arith.index_cast %add3A_592 : i32 to index
        %get3A_617 = arith.constant 48 : index
        %get3A_618 = tpu.vector_load %arg7[%get3A_615, %get3A_616, %get3A_617] {strides = array<i32>} : memref<4x200x64xf32, #tpu.memory_space<vmem>>, vector<1x1x16xf32>,
        %get3A_619 = vector.shape_cast %get3A_618 : vector<1x1x16xf32> to vector<16xf32>
        %add3A_620 = arith.addf %add3A_588, %get3A_619 : vector<16xf32>
        %mul3A_621 = arith.constant 4 : i32
        %mul3A_622 = arith.muli %scan3A_552, %mul3A_621 : i32
        %add3A_623 = arith.constant 2 : i32
        %add3A_624 = arith.addi %mul3A_622, %add3A_623 : i32
        %get3A_625 = arith.constant 2 : i32
        %get3A_626 = arith.index_cast %get3A_625 : i32 to index
        %get3A_627 = arith.index_cast %add3A_624 : i32 to index
        %get3A_628 = arith.constant 0 : index
        %get3A_629 = tpu.vector_load %arg7[%get3A_626, %get3A_627, %get3A_628] {strides = array<i32>} : memref<4x200x64xf32, #tpu.memory_space<vmem>>, vector<1x1x16xf32>,
        %get3A_630 = vector.shape_cast %get3A_629 : vector<1x1x16xf32> to vector<16xf32>
        %add3A_631 = arith.addf %add3A_599, %get3A_630 : vector<16xf32>
        %get3A_632 = arith.constant 2 : i32
        %get3A_633 = arith.index_cast %get3A_632 : i32 to index
        %get3A_634 = arith.index_cast %add3A_624 : i32 to index
        %get3A_635 = arith.constant 16 : index
        %get3A_636 = tpu.vector_load %arg7[%get3A_633, %get3A_634, %get3A_635] {strides = array<i32>} : memref<4x200x64xf32, #tpu.memory_space<vmem>>, vector<1x1x16xf32>,
        %get3A_637 = vector.shape_cast %get3A_636 : vector<1x1x16xf32> to vector<16xf32>
        %add3A_638 = arith.addf %add3A_606, %get3A_637 : vector<16xf32>
        %get3A_639 = arith.constant 2 : i32
        %get3A_640 = arith.index_cast %get3A_639 : i32 to index
        %get3A_641 = arith.index_cast %add3A_624 : i32 to index
        %get3A_642 = arith.constant 32 : index
        %get3A_643 = tpu.vector_load %arg7[%get3A_640, %get3A_641, %get3A_642] {strides = array<i32>} : memref<4x200x64xf32, #tpu.memory_space<vmem>>, vector<1x1x16xf32>,
        %get3A_644 = vector.shape_cast %get3A_643 : vector<1x1x16xf32> to vector<16xf32>
        %add3A_645 = arith.addf %add3A_613, %get3A_644 : vector<16xf32>
        %get3A_646 = arith.constant 2 : i32
        %get3A_647 = arith.index_cast %get3A_646 : i32 to index
        %get3A_648 = arith.index_cast %add3A_624 : i32 to index
        %get3A_649 = arith.constant 48 : index
        %get3A_650 = tpu.vector_load %arg7[%get3A_647, %get3A_648, %get3A_649] {strides = array<i32>} : memref<4x200x64xf32, #tpu.memory_space<vmem>>, vector<1x1x16xf32>,
        %get3A_651 = vector.shape_cast %get3A_650 : vector<1x1x16xf32> to vector<16xf32>
        %add3A_652 = arith.addf %add3A_620, %get3A_651 : vector<16xf32>
        %mul3A_653 = arith.constant 4 : i32
        %mul3A_654 = arith.muli %scan3A_552, %mul3A_653 : i32
        %add3A_655 = arith.constant 3 : i32
        %add3A_656 = arith.addi %mul3A_654, %add3A_655 : i32
        %get3A_657 = arith.constant 2 : i32
        %get3A_658 = arith.index_cast %get3A_657 : i32 to index
        %get3A_659 = arith.index_cast %add3A_656 : i32 to index
        %get3A_660 = arith.constant 0 : index
        %get3A_661 = tpu.vector_load %arg7[%get3A_658, %get3A_659, %get3A_660] {strides = array<i32>} : memref<4x200x64xf32, #tpu.memory_space<vmem>>, vector<1x1x16xf32>,
        %get3A_662 = vector.shape_cast %get3A_661 : vector<1x1x16xf32> to vector<16xf32>
        %add3A_663 = arith.addf %add3A_631, %get3A_662 : vector<16xf32>
        %get3A_664 = arith.constant 2 : i32
        %get3A_665 = arith.index_cast %get3A_664 : i32 to index
        %get3A_666 = arith.index_cast %add3A_656 : i32 to index
        %get3A_667 = arith.constant 16 : index
        %get3A_668 = tpu.vector_load %arg7[%get3A_665, %get3A_666, %get3A_667] {strides = array<i32>} : memref<4x200x64xf32, #tpu.memory_space<vmem>>, vector<1x1x16xf32>,
        %get3A_669 = vector.shape_cast %get3A_668 : vector<1x1x16xf32> to vector<16xf32>
        %add3A_670 = arith.addf %add3A_638, %get3A_669 : vector<16xf32>
        %get3A_671 = arith.constant 2 : i32
        %get3A_672 = arith.index_cast %get3A_671 : i32 to index
        %get3A_673 = arith.index_cast %add3A_656 : i32 to index
        %get3A_674 = arith.constant 32 : index
        %get3A_675 = tpu.vector_load %arg7[%get3A_672, %get3A_673, %get3A_674] {strides = array<i32>} : memref<4x200x64xf32, #tpu.memory_space<vmem>>, vector<1x1x16xf32>,
        %get3A_676 = vector.shape_cast %get3A_675 : vector<1x1x16xf32> to vector<16xf32>
        %add3A_677 = arith.addf %add3A_645, %get3A_676 : vector<16xf32>
        %get3A_678 = arith.constant 2 : i32
        %get3A_679 = arith.index_cast %get3A_678 : i32 to index
        %get3A_680 = arith.index_cast %add3A_656 : i32 to index
        %get3A_681 = arith.constant 48 : index
        %get3A_682 = tpu.vector_load %arg7[%get3A_679, %get3A_680, %get3A_681] {strides = array<i32>} : memref<4x200x64xf32, #tpu.memory_space<vmem>>, vector<1x1x16xf32>,
        %get3A_683 = vector.shape_cast %get3A_682 : vector<1x1x16xf32> to vector<16xf32>
        %add3A_684 = arith.addf %add3A_652, %get3A_683 : vector<16xf32>
        scf.yield %add3A_663, %add3A_670, %add3A_677, %add3A_684 : vector<16xf32>, vector<16xf32>, vector<16xf32>, vector<16xf32>
      }
      %scan3A_417 = arith.constant 50 : i32
      %mul3A_418 = arith.constant 5.000000e-03 : f32
      %mul3A_419 = vector.broadcast %mul3A_418 : f32 to vector<16xf32>
      %mul3A_420 = arith.mulf %scan3A_416#0, %mul3A_419 : vector<16xf32>
      %swap3A_421 = arith.index_cast %add3A_409 : i32 to index
      %swap3A_422 = arith.constant 0 : index
      %swap3A_423 = tpu.vector_load %arg8[%swap3A_421, %swap3A_422] {strides = array<i32>} : memref<128x128xf32, #tpu.memory_space<vmem>>, vector<1x16xf32>,
      %swap3A_424 = vector.shape_cast %swap3A_423 : vector<1x16xf32> to vector<16xf32>
      %swap3A_425 = vector.shape_cast %mul3A_420 : vector<16xf32> to vector<1x16xf32>
      tpu.vector_store %arg8[%swap3A_421, %swap3A_422], %swap3A_425 {strides = array<i32>} : memref<128x128xf32, #tpu.memory_space<vmem>>, vector<1x16xf32>,
      %mul3A_426 = arith.constant 5.000000e-03 : f32
      %mul3A_427 = vector.broadcast %mul3A_426 : f32 to vector<16xf32>
      %mul3A_428 = arith.mulf %scan3A_416#1, %mul3A_427 : vector<16xf32>
      %swap3A_429 = arith.index_cast %add3A_409 : i32 to index
      %swap3A_430 = arith.constant 16 : index
      %swap3A_431 = tpu.vector_load %arg8[%swap3A_429, %swap3A_430] {strides = array<i32>} : memref<128x128xf32, #tpu.memory_space<vmem>>, vector<1x16xf32>,
      %swap3A_432 = vector.shape_cast %swap3A_431 : vector<1x16xf32> to vector<16xf32>
      %swap3A_433 = vector.shape_cast %mul3A_428 : vector<16xf32> to vector<1x16xf32>
      tpu.vector_store %arg8[%swap3A_429, %swap3A_430], %swap3A_433 {strides = array<i32>} : memref<128x128xf32, #tpu.memory_space<vmem>>, vector<1x16xf32>,
      %mul3A_434 = arith.constant 5.000000e-03 : f32
      %mul3A_435 = vector.broadcast %mul3A_434 : f32 to vector<16xf32>
      %mul3A_436 = arith.mulf %scan3A_416#2, %mul3A_435 : vector<16xf32>
      %swap3A_437 = arith.index_cast %add3A_409 : i32 to index
      %swap3A_438 = arith.constant 32 : index
      %swap3A_439 = tpu.vector_load %arg8[%swap3A_437, %swap3A_438] {strides = array<i32>} : memref<128x128xf32, #tpu.memory_space<vmem>>, vector<1x16xf32>,
      %swap3A_440 = vector.shape_cast %swap3A_439 : vector<1x16xf32> to vector<16xf32>
      %swap3A_441 = vector.shape_cast %mul3A_436 : vector<16xf32> to vector<1x16xf32>
      tpu.vector_store %arg8[%swap3A_437, %swap3A_438], %swap3A_441 {strides = array<i32>} : memref<128x128xf32, #tpu.memory_space<vmem>>, vector<1x16xf32>,
      %mul3A_442 = arith.constant 5.000000e-03 : f32
      %mul3A_443 = vector.broadcast %mul3A_442 : f32 to vector<16xf32>
      %mul3A_444 = arith.mulf %scan3A_416#3, %mul3A_443 : vector<16xf32>
      %swap3A_445 = arith.index_cast %add3A_409 : i32 to index
      %swap3A_446 = arith.constant 48 : index
      %swap3A_447 = tpu.vector_load %arg8[%swap3A_445, %swap3A_446] {strides = array<i32>} : memref<128x128xf32, #tpu.memory_space<vmem>>, vector<1x16xf32>,
      %swap3A_448 = vector.shape_cast %swap3A_447 : vector<1x16xf32> to vector<16xf32>
      %swap3A_449 = vector.shape_cast %mul3A_444 : vector<16xf32> to vector<1x16xf32>
      tpu.vector_store %arg8[%swap3A_445, %swap3A_446], %swap3A_449 {strides = array<i32>} : memref<128x128xf32, #tpu.memory_space<vmem>>, vector<1x16xf32>,
      %lt3A_450 = arith.constant 124 : i32
      %lt3A_451 = arith.cmpi slt, %add3A_359, %lt3A_450 : i32
      %convert_element_type3A_452 = arith.extui %lt3A_451 : i1 to i32
      %cond3A_453 = arith.constant 0 : i32
      %cond3A_454 = arith.cmpi ne, %convert_element_type3A_452, %cond3A_453 : i32
      scf.if %cond3A_454 {
        %add3A_552 = arith.constant 4 : i32
        %add3A_553 = arith.addi %add3A_359, %add3A_552 : i32
        %mul3A_554 = arith.constant 200 : i32
        %mul3A_555 = arith.muli %add3A_553, %mul3A_554 : i32
        %dma_start3A_556 = arith.constant 2 : i32
        %dma_start3A_557 = arith.constant 0 : i32
        %dma_start3A_558 = arith.constant 0 : i32
        %dma_start3A_559 = tpu.memref_slice %arg7[%dma_start3A_556, %dma_start3A_557, %dma_start3A_558] : memref<4x200x64xf32, #tpu.memory_space<vmem>> -> memref<1x128x64xf32, #tpu.memory_space<vmem>>
        %dma_start3A_560 = tpu.memref_squeeze %dma_start3A_559 : memref<1x128x64xf32, #tpu.memory_space<vmem>> -> memref<128x64xf32, #tpu.memory_space<vmem>>
        %dma_start3A_561 = tpu.memref_slice %arg6[%mul3A_555] : memref<25600xi32, #tpu.memory_space<vmem>> -> memref<128xi32, #tpu.memory_space<vmem>>
        %dma_start3A_562 = arith.constant 0 : i32
        %dma_start3A_563 = arith.constant 0 : i32
        %dma_start3A_564 = tpu.memref_slice %arg4[%dma_start3A_562, %dma_start3A_563] : memref<2007040x64xf32, #tpu.memory_space<hbm>> -> memref<2007040x64xf32, #tpu.memory_space<hbm>>
        tpu.enqueue_indirect_dma source(%dma_start3A_564 : memref<2007040x64xf32, #tpu.memory_space<hbm>>) target(%dma_start3A_560 : memref<128x64xf32, #tpu.memory_space<vmem>>) offsets(%dma_start3A_561 : memref<128xi32, #tpu.memory_space<vmem>>) semaphore(%arg13 : memref<!tpu.dma_semaphore, #tpu.memory_space<semaphore_mem>>)
        %mul3A_565 = arith.constant 200 : i32
        %mul3A_566 = arith.muli %add3A_553, %mul3A_565 : i32
        %add3A_567 = arith.constant 128 : i32
        %add3A_568 = arith.addi %mul3A_566, %add3A_567 : i32
        %dma_start3A_569 = arith.constant 2 : i32
        %dma_start3A_570 = arith.constant 128 : i32
        %dma_start3A_571 = arith.constant 0 : i32
        %dma_start3A_572 = tpu.memref_slice %arg7[%dma_start3A_569, %dma_start3A_570, %dma_start3A_571] : memref<4x200x64xf32, #tpu.memory_space<vmem>> -> memref<1x72x64xf32, #tpu.memory_space<vmem>>
        %dma_start3A_573 = tpu.memref_squeeze %dma_start3A_572 : memref<1x72x64xf32, #tpu.memory_space<vmem>> -> memref<72x64xf32, #tpu.memory_space<vmem>>
        %dma_start3A_574 = tpu.memref_slice %arg6[%add3A_568] : memref<25600xi32, #tpu.memory_space<vmem>> -> memref<72xi32, #tpu.memory_space<vmem>>
        %dma_start3A_575 = arith.constant 0 : i32
        %dma_start3A_576 = arith.constant 0 : i32
        %dma_start3A_577 = tpu.memref_slice %arg4[%dma_start3A_575, %dma_start3A_576] : memref<2007040x64xf32, #tpu.memory_space<hbm>> -> memref<2007040x64xf32, #tpu.memory_space<hbm>>
        tpu.enqueue_indirect_dma source(%dma_start3A_577 : memref<2007040x64xf32, #tpu.memory_space<hbm>>) target(%dma_start3A_573 : memref<72x64xf32, #tpu.memory_space<vmem>>) offsets(%dma_start3A_574 : memref<72xi32, #tpu.memory_space<vmem>>) semaphore(%arg13 : memref<!tpu.dma_semaphore, #tpu.memory_space<semaphore_mem>>)
      } else {
      }
      %add3A_455 = arith.constant 3 : i32
      %add3A_456 = arith.addi %add3A_175, %add3A_455 : i32
      %mul3A_457 = arith.constant 200 : i32
      %mul3A_458 = arith.muli %add3A_456, %mul3A_457 : i32
      %dma_wait3A_459 = arith.constant 3 : i32
      %dma_wait3A_460 = arith.constant 0 : i32
      %dma_wait3A_461 = arith.constant 0 : i32
      %dma_wait3A_462 = tpu.memref_slice %arg7[%dma_wait3A_459, %dma_wait3A_460, %dma_wait3A_461] : memref<4x200x64xf32, #tpu.memory_space<vmem>> -> memref<1x128x64xf32, #tpu.memory_space<vmem>>
      %dma_wait3A_463 = tpu.memref_squeeze %dma_wait3A_462 : memref<1x128x64xf32, #tpu.memory_space<vmem>> -> memref<128x64xf32, #tpu.memory_space<vmem>>
      %dma_wait3A_464 = tpu.memref_slice %arg6[%mul3A_458] : memref<25600xi32, #tpu.memory_space<vmem>> -> memref<128xi32, #tpu.memory_space<vmem>>
      %dma_wait3A_465 = arith.constant 0 : i32
      %dma_wait3A_466 = arith.constant 0 : i32
      %dma_wait3A_467 = tpu.memref_slice %arg4[%dma_wait3A_465, %dma_wait3A_466] : memref<2007040x64xf32, #tpu.memory_space<hbm>> -> memref<2007040x64xf32, #tpu.memory_space<hbm>>
      tpu.wait_indirect_dma semaphore(%arg14 : memref<!tpu.dma_semaphore, #tpu.memory_space<semaphore_mem>>) src(%dma_wait3A_467 : memref<2007040x64xf32, #tpu.memory_space<hbm>>) dst(%dma_wait3A_463 : memref<128x64xf32, #tpu.memory_space<vmem>>)
      %mul3A_468 = arith.constant 200 : i32
      %mul3A_469 = arith.muli %add3A_456, %mul3A_468 : i32
      %add3A_470 = arith.constant 128 : i32
      %add3A_471 = arith.addi %mul3A_469, %add3A_470 : i32
      %dma_wait3A_472 = arith.constant 3 : i32
      %dma_wait3A_473 = arith.constant 128 : i32
      %dma_wait3A_474 = arith.constant 0 : i32
      %dma_wait3A_475 = tpu.memref_slice %arg7[%dma_wait3A_472, %dma_wait3A_473, %dma_wait3A_474] : memref<4x200x64xf32, #tpu.memory_space<vmem>> -> memref<1x72x64xf32, #tpu.memory_space<vmem>>
      %dma_wait3A_476 = tpu.memref_squeeze %dma_wait3A_475 : memref<1x72x64xf32, #tpu.memory_space<vmem>> -> memref<72x64xf32, #tpu.memory_space<vmem>>
      %dma_wait3A_477 = tpu.memref_slice %arg6[%add3A_471] : memref<25600xi32, #tpu.memory_space<vmem>> -> memref<72xi32, #tpu.memory_space<vmem>>
      %dma_wait3A_478 = arith.constant 0 : i32
      %dma_wait3A_479 = arith.constant 0 : i32
      %dma_wait3A_480 = tpu.memref_slice %arg4[%dma_wait3A_478, %dma_wait3A_479] : memref<2007040x64xf32, #tpu.memory_space<hbm>> -> memref<2007040x64xf32, #tpu.memory_space<hbm>>
      tpu.wait_indirect_dma semaphore(%arg14 : memref<!tpu.dma_semaphore, #tpu.memory_space<semaphore_mem>>) src(%dma_wait3A_480 : memref<2007040x64xf32, #tpu.memory_space<hbm>>) dst(%dma_wait3A_476 : memref<72x64xf32, #tpu.memory_space<vmem>>)
      %jit3A_481 = arith.constant 2 : i32
      %div3A_482 = arith.divsi %add3A_175, %jit3A_481 : i32
      %sign3A_483 = arith.constant 0 : i32
      %sign3A_484 = arith.cmpi sgt, %add3A_175, %sign3A_483 : i32
      %sign3A_485 = arith.extui %sign3A_484 : i1 to i32
      %sign3A_486 = arith.constant 0 : i32
      %sign3A_487 = arith.cmpi slt, %add3A_175, %sign3A_486 : i32
      %sign3A_488 = arith.extui %sign3A_487 : i1 to i32
      %sign3A_489 = arith.subi %sign3A_485, %sign3A_488 : i32
      %sign3A_490 = arith.constant 0 : i32
      %sign3A_491 = arith.cmpi sgt, %jit3A_481, %sign3A_490 : i32
      %sign3A_492 = arith.extui %sign3A_491 : i1 to i32
      %sign3A_493 = arith.constant 0 : i32
      %sign3A_494 = arith.cmpi slt, %jit3A_481, %sign3A_493 : i32
      %sign3A_495 = arith.extui %sign3A_494 : i1 to i32
      %sign3A_496 = arith.subi %sign3A_492, %sign3A_495 : i32
      %ne3A_497 = arith.cmpi ne, %sign3A_489, %sign3A_496 : i32
      %rem3A_498 = arith.remsi %add3A_175, %jit3A_481 : i32
      %ne3A_499 = arith.constant 0 : i32
      %ne3A_500 = arith.cmpi ne, %rem3A_498, %ne3A_499 : i32
      %and3A_501 = arith.andi %ne3A_497, %ne3A_500 : i1
      %sub3A_502 = arith.constant 1 : i32
      %sub3A_503 = arith.subi %div3A_482, %sub3A_502 : i32
      %select_n3A_504 = arith.select %and3A_501, %sub3A_503, %div3A_482 : i32
      %add3A_505 = arith.constant 1 : i32
      %add3A_506 = arith.addi %select_n3A_504, %add3A_505 : i32
      %broadcast_in_dim3A_507 = arith.constant 0.000000e+00 : f32
      %broadcast_in_dim3A_508 = vector.broadcast %broadcast_in_dim3A_507 : f32 to vector<16xf32>
      %scan3A_509 = arith.constant 0 : i32
      %scan3A_510 = arith.constant 50 : i32
      %scan3A_511 = arith.addi %scan3A_509, %scan3A_510 : i32
      %scan3A_512 = arith.constant 1 : i32
      %scan3A_513:4 = scf.for %scan3A_552 = %scan3A_509 to %scan3A_511 step %scan3A_512 iter_args(%scan3A_553 = %broadcast_in_dim3A_508, %scan3A_554 = %broadcast_in_dim3A_508, %scan3A_555 = %broadcast_in_dim3A_508, %scan3A_556 = %broadcast_in_dim3A_508) -> (vector<16xf32>, vector<16xf32>, vector<16xf32>, vector<16xf32>)  : i32 {
        %mul3A_557 = arith.constant 4 : i32
        %mul3A_558 = arith.muli %scan3A_552, %mul3A_557 : i32
        %add3A_559 = arith.constant 0 : i32
        %add3A_560 = arith.addi %mul3A_558, %add3A_559 : i32
        %get3A_561 = arith.constant 3 : i32
        %get3A_562 = arith.index_cast %get3A_561 : i32 to index
        %get3A_563 = arith.index_cast %add3A_560 : i32 to index
        %get3A_564 = arith.constant 0 : index
        %get3A_565 = tpu.vector_load %arg7[%get3A_562, %get3A_563, %get3A_564] {strides = array<i32>} : memref<4x200x64xf32, #tpu.memory_space<vmem>>, vector<1x1x16xf32>,
        %get3A_566 = vector.shape_cast %get3A_565 : vector<1x1x16xf32> to vector<16xf32>
        %add3A_567 = arith.addf %scan3A_553, %get3A_566 : vector<16xf32>
        %get3A_568 = arith.constant 3 : i32
        %get3A_569 = arith.index_cast %get3A_568 : i32 to index
        %get3A_570 = arith.index_cast %add3A_560 : i32 to index
        %get3A_571 = arith.constant 16 : index
        %get3A_572 = tpu.vector_load %arg7[%get3A_569, %get3A_570, %get3A_571] {strides = array<i32>} : memref<4x200x64xf32, #tpu.memory_space<vmem>>, vector<1x1x16xf32>,
        %get3A_573 = vector.shape_cast %get3A_572 : vector<1x1x16xf32> to vector<16xf32>
        %add3A_574 = arith.addf %scan3A_554, %get3A_573 : vector<16xf32>
        %get3A_575 = arith.constant 3 : i32
        %get3A_576 = arith.index_cast %get3A_575 : i32 to index
        %get3A_577 = arith.index_cast %add3A_560 : i32 to index
        %get3A_578 = arith.constant 32 : index
        %get3A_579 = tpu.vector_load %arg7[%get3A_576, %get3A_577, %get3A_578] {strides = array<i32>} : memref<4x200x64xf32, #tpu.memory_space<vmem>>, vector<1x1x16xf32>,
        %get3A_580 = vector.shape_cast %get3A_579 : vector<1x1x16xf32> to vector<16xf32>
        %add3A_581 = arith.addf %scan3A_555, %get3A_580 : vector<16xf32>
        %get3A_582 = arith.constant 3 : i32
        %get3A_583 = arith.index_cast %get3A_582 : i32 to index
        %get3A_584 = arith.index_cast %add3A_560 : i32 to index
        %get3A_585 = arith.constant 48 : index
        %get3A_586 = tpu.vector_load %arg7[%get3A_583, %get3A_584, %get3A_585] {strides = array<i32>} : memref<4x200x64xf32, #tpu.memory_space<vmem>>, vector<1x1x16xf32>,
        %get3A_587 = vector.shape_cast %get3A_586 : vector<1x1x16xf32> to vector<16xf32>
        %add3A_588 = arith.addf %scan3A_556, %get3A_587 : vector<16xf32>
        %mul3A_589 = arith.constant 4 : i32
        %mul3A_590 = arith.muli %scan3A_552, %mul3A_589 : i32
        %add3A_591 = arith.constant 1 : i32
        %add3A_592 = arith.addi %mul3A_590, %add3A_591 : i32
        %get3A_593 = arith.constant 3 : i32
        %get3A_594 = arith.index_cast %get3A_593 : i32 to index
        %get3A_595 = arith.index_cast %add3A_592 : i32 to index
        %get3A_596 = arith.constant 0 : index
        %get3A_597 = tpu.vector_load %arg7[%get3A_594, %get3A_595, %get3A_596] {strides = array<i32>} : memref<4x200x64xf32, #tpu.memory_space<vmem>>, vector<1x1x16xf32>,
        %get3A_598 = vector.shape_cast %get3A_597 : vector<1x1x16xf32> to vector<16xf32>
        %add3A_599 = arith.addf %add3A_567, %get3A_598 : vector<16xf32>
        %get3A_600 = arith.constant 3 : i32
        %get3A_601 = arith.index_cast %get3A_600 : i32 to index
        %get3A_602 = arith.index_cast %add3A_592 : i32 to index
        %get3A_603 = arith.constant 16 : index
        %get3A_604 = tpu.vector_load %arg7[%get3A_601, %get3A_602, %get3A_603] {strides = array<i32>} : memref<4x200x64xf32, #tpu.memory_space<vmem>>, vector<1x1x16xf32>,
        %get3A_605 = vector.shape_cast %get3A_604 : vector<1x1x16xf32> to vector<16xf32>
        %add3A_606 = arith.addf %add3A_574, %get3A_605 : vector<16xf32>
        %get3A_607 = arith.constant 3 : i32
        %get3A_608 = arith.index_cast %get3A_607 : i32 to index
        %get3A_609 = arith.index_cast %add3A_592 : i32 to index
        %get3A_610 = arith.constant 32 : index
        %get3A_611 = tpu.vector_load %arg7[%get3A_608, %get3A_609, %get3A_610] {strides = array<i32>} : memref<4x200x64xf32, #tpu.memory_space<vmem>>, vector<1x1x16xf32>,
        %get3A_612 = vector.shape_cast %get3A_611 : vector<1x1x16xf32> to vector<16xf32>
        %add3A_613 = arith.addf %add3A_581, %get3A_612 : vector<16xf32>
        %get3A_614 = arith.constant 3 : i32
        %get3A_615 = arith.index_cast %get3A_614 : i32 to index
        %get3A_616 = arith.index_cast %add3A_592 : i32 to index
        %get3A_617 = arith.constant 48 : index
        %get3A_618 = tpu.vector_load %arg7[%get3A_615, %get3A_616, %get3A_617] {strides = array<i32>} : memref<4x200x64xf32, #tpu.memory_space<vmem>>, vector<1x1x16xf32>,
        %get3A_619 = vector.shape_cast %get3A_618 : vector<1x1x16xf32> to vector<16xf32>
        %add3A_620 = arith.addf %add3A_588, %get3A_619 : vector<16xf32>
        %mul3A_621 = arith.constant 4 : i32
        %mul3A_622 = arith.muli %scan3A_552, %mul3A_621 : i32
        %add3A_623 = arith.constant 2 : i32
        %add3A_624 = arith.addi %mul3A_622, %add3A_623 : i32
        %get3A_625 = arith.constant 3 : i32
        %get3A_626 = arith.index_cast %get3A_625 : i32 to index
        %get3A_627 = arith.index_cast %add3A_624 : i32 to index
        %get3A_628 = arith.constant 0 : index
        %get3A_629 = tpu.vector_load %arg7[%get3A_626, %get3A_627, %get3A_628] {strides = array<i32>} : memref<4x200x64xf32, #tpu.memory_space<vmem>>, vector<1x1x16xf32>,
        %get3A_630 = vector.shape_cast %get3A_629 : vector<1x1x16xf32> to vector<16xf32>
        %add3A_631 = arith.addf %add3A_599, %get3A_630 : vector<16xf32>
        %get3A_632 = arith.constant 3 : i32
        %get3A_633 = arith.index_cast %get3A_632 : i32 to index
        %get3A_634 = arith.index_cast %add3A_624 : i32 to index
        %get3A_635 = arith.constant 16 : index
        %get3A_636 = tpu.vector_load %arg7[%get3A_633, %get3A_634, %get3A_635] {strides = array<i32>} : memref<4x200x64xf32, #tpu.memory_space<vmem>>, vector<1x1x16xf32>,
        %get3A_637 = vector.shape_cast %get3A_636 : vector<1x1x16xf32> to vector<16xf32>
        %add3A_638 = arith.addf %add3A_606, %get3A_637 : vector<16xf32>
        %get3A_639 = arith.constant 3 : i32
        %get3A_640 = arith.index_cast %get3A_639 : i32 to index
        %get3A_641 = arith.index_cast %add3A_624 : i32 to index
        %get3A_642 = arith.constant 32 : index
        %get3A_643 = tpu.vector_load %arg7[%get3A_640, %get3A_641, %get3A_642] {strides = array<i32>} : memref<4x200x64xf32, #tpu.memory_space<vmem>>, vector<1x1x16xf32>,
        %get3A_644 = vector.shape_cast %get3A_643 : vector<1x1x16xf32> to vector<16xf32>
        %add3A_645 = arith.addf %add3A_613, %get3A_644 : vector<16xf32>
        %get3A_646 = arith.constant 3 : i32
        %get3A_647 = arith.index_cast %get3A_646 : i32 to index
        %get3A_648 = arith.index_cast %add3A_624 : i32 to index
        %get3A_649 = arith.constant 48 : index
        %get3A_650 = tpu.vector_load %arg7[%get3A_647, %get3A_648, %get3A_649] {strides = array<i32>} : memref<4x200x64xf32, #tpu.memory_space<vmem>>, vector<1x1x16xf32>,
        %get3A_651 = vector.shape_cast %get3A_650 : vector<1x1x16xf32> to vector<16xf32>
        %add3A_652 = arith.addf %add3A_620, %get3A_651 : vector<16xf32>
        %mul3A_653 = arith.constant 4 : i32
        %mul3A_654 = arith.muli %scan3A_552, %mul3A_653 : i32
        %add3A_655 = arith.constant 3 : i32
        %add3A_656 = arith.addi %mul3A_654, %add3A_655 : i32
        %get3A_657 = arith.constant 3 : i32
        %get3A_658 = arith.index_cast %get3A_657 : i32 to index
        %get3A_659 = arith.index_cast %add3A_656 : i32 to index
        %get3A_660 = arith.constant 0 : index
        %get3A_661 = tpu.vector_load %arg7[%get3A_658, %get3A_659, %get3A_660] {strides = array<i32>} : memref<4x200x64xf32, #tpu.memory_space<vmem>>, vector<1x1x16xf32>,
        %get3A_662 = vector.shape_cast %get3A_661 : vector<1x1x16xf32> to vector<16xf32>
        %add3A_663 = arith.addf %add3A_631, %get3A_662 : vector<16xf32>
        %get3A_664 = arith.constant 3 : i32
        %get3A_665 = arith.index_cast %get3A_664 : i32 to index
        %get3A_666 = arith.index_cast %add3A_656 : i32 to index
        %get3A_667 = arith.constant 16 : index
        %get3A_668 = tpu.vector_load %arg7[%get3A_665, %get3A_666, %get3A_667] {strides = array<i32>} : memref<4x200x64xf32, #tpu.memory_space<vmem>>, vector<1x1x16xf32>,
        %get3A_669 = vector.shape_cast %get3A_668 : vector<1x1x16xf32> to vector<16xf32>
        %add3A_670 = arith.addf %add3A_638, %get3A_669 : vector<16xf32>
        %get3A_671 = arith.constant 3 : i32
        %get3A_672 = arith.index_cast %get3A_671 : i32 to index
        %get3A_673 = arith.index_cast %add3A_656 : i32 to index
        %get3A_674 = arith.constant 32 : index
        %get3A_675 = tpu.vector_load %arg7[%get3A_672, %get3A_673, %get3A_674] {strides = array<i32>} : memref<4x200x64xf32, #tpu.memory_space<vmem>>, vector<1x1x16xf32>,
        %get3A_676 = vector.shape_cast %get3A_675 : vector<1x1x16xf32> to vector<16xf32>
        %add3A_677 = arith.addf %add3A_645, %get3A_676 : vector<16xf32>
        %get3A_678 = arith.constant 3 : i32
        %get3A_679 = arith.index_cast %get3A_678 : i32 to index
        %get3A_680 = arith.index_cast %add3A_656 : i32 to index
        %get3A_681 = arith.constant 48 : index
        %get3A_682 = tpu.vector_load %arg7[%get3A_679, %get3A_680, %get3A_681] {strides = array<i32>} : memref<4x200x64xf32, #tpu.memory_space<vmem>>, vector<1x1x16xf32>,
        %get3A_683 = vector.shape_cast %get3A_682 : vector<1x1x16xf32> to vector<16xf32>
        %add3A_684 = arith.addf %add3A_652, %get3A_683 : vector<16xf32>
        scf.yield %add3A_663, %add3A_670, %add3A_677, %add3A_684 : vector<16xf32>, vector<16xf32>, vector<16xf32>, vector<16xf32>
      }
      %scan3A_514 = arith.constant 50 : i32
      %mul3A_515 = arith.constant 5.000000e-03 : f32
      %mul3A_516 = vector.broadcast %mul3A_515 : f32 to vector<16xf32>
      %mul3A_517 = arith.mulf %scan3A_513#0, %mul3A_516 : vector<16xf32>
      %swap3A_518 = arith.index_cast %add3A_506 : i32 to index
      %swap3A_519 = arith.constant 64 : index
      %swap3A_520 = tpu.vector_load %arg8[%swap3A_518, %swap3A_519] {strides = array<i32>} : memref<128x128xf32, #tpu.memory_space<vmem>>, vector<1x16xf32>,
      %swap3A_521 = vector.shape_cast %swap3A_520 : vector<1x16xf32> to vector<16xf32>
      %swap3A_522 = vector.shape_cast %mul3A_517 : vector<16xf32> to vector<1x16xf32>
      tpu.vector_store %arg8[%swap3A_518, %swap3A_519], %swap3A_522 {strides = array<i32>} : memref<128x128xf32, #tpu.memory_space<vmem>>, vector<1x16xf32>,
      %mul3A_523 = arith.constant 5.000000e-03 : f32
      %mul3A_524 = vector.broadcast %mul3A_523 : f32 to vector<16xf32>
      %mul3A_525 = arith.mulf %scan3A_513#1, %mul3A_524 : vector<16xf32>
      %swap3A_526 = arith.index_cast %add3A_506 : i32 to index
      %swap3A_527 = arith.constant 80 : index
      %swap3A_528 = tpu.vector_load %arg8[%swap3A_526, %swap3A_527] {strides = array<i32>} : memref<128x128xf32, #tpu.memory_space<vmem>>, vector<1x16xf32>,
      %swap3A_529 = vector.shape_cast %swap3A_528 : vector<1x16xf32> to vector<16xf32>
      %swap3A_530 = vector.shape_cast %mul3A_525 : vector<16xf32> to vector<1x16xf32>
      tpu.vector_store %arg8[%swap3A_526, %swap3A_527], %swap3A_530 {strides = array<i32>} : memref<128x128xf32, #tpu.memory_space<vmem>>, vector<1x16xf32>,
      %mul3A_531 = arith.constant 5.000000e-03 : f32
      %mul3A_532 = vector.broadcast %mul3A_531 : f32 to vector<16xf32>
      %mul3A_533 = arith.mulf %scan3A_513#2, %mul3A_532 : vector<16xf32>
      %swap3A_534 = arith.index_cast %add3A_506 : i32 to index
      %swap3A_535 = arith.constant 96 : index
      %swap3A_536 = tpu.vector_load %arg8[%swap3A_534, %swap3A_535] {strides = array<i32>} : memref<128x128xf32, #tpu.memory_space<vmem>>, vector<1x16xf32>,
      %swap3A_537 = vector.shape_cast %swap3A_536 : vector<1x16xf32> to vector<16xf32>
      %swap3A_538 = vector.shape_cast %mul3A_533 : vector<16xf32> to vector<1x16xf32>
      tpu.vector_store %arg8[%swap3A_534, %swap3A_535], %swap3A_538 {strides = array<i32>} : memref<128x128xf32, #tpu.memory_space<vmem>>, vector<1x16xf32>,
      %mul3A_539 = arith.constant 5.000000e-03 : f32
      %mul3A_540 = vector.broadcast %mul3A_539 : f32 to vector<16xf32>
      %mul3A_541 = arith.mulf %scan3A_513#3, %mul3A_540 : vector<16xf32>
      %swap3A_542 = arith.index_cast %add3A_506 : i32 to index
      %swap3A_543 = arith.constant 112 : index
      %swap3A_544 = tpu.vector_load %arg8[%swap3A_542, %swap3A_543] {strides = array<i32>} : memref<128x128xf32, #tpu.memory_space<vmem>>, vector<1x16xf32>,
      %swap3A_545 = vector.shape_cast %swap3A_544 : vector<1x16xf32> to vector<16xf32>
      %swap3A_546 = vector.shape_cast %mul3A_541 : vector<16xf32> to vector<1x16xf32>
      tpu.vector_store %arg8[%swap3A_542, %swap3A_543], %swap3A_546 {strides = array<i32>} : memref<128x128xf32, #tpu.memory_space<vmem>>, vector<1x16xf32>,
      %lt3A_547 = arith.constant 124 : i32
      %lt3A_548 = arith.cmpi slt, %add3A_456, %lt3A_547 : i32
      %convert_element_type3A_549 = arith.extui %lt3A_548 : i1 to i32
      %cond3A_550 = arith.constant 0 : i32
      %cond3A_551 = arith.cmpi ne, %convert_element_type3A_549, %cond3A_550 : i32
      scf.if %cond3A_551 {
        %add3A_552 = arith.constant 4 : i32
        %add3A_553 = arith.addi %add3A_456, %add3A_552 : i32
        %mul3A_554 = arith.constant 200 : i32
        %mul3A_555 = arith.muli %add3A_553, %mul3A_554 : i32
        %dma_start3A_556 = arith.constant 3 : i32
        %dma_start3A_557 = arith.constant 0 : i32
        %dma_start3A_558 = arith.constant 0 : i32
        %dma_start3A_559 = tpu.memref_slice %arg7[%dma_start3A_556, %dma_start3A_557, %dma_start3A_558] : memref<4x200x64xf32, #tpu.memory_space<vmem>> -> memref<1x128x64xf32, #tpu.memory_space<vmem>>
        %dma_start3A_560 = tpu.memref_squeeze %dma_start3A_559 : memref<1x128x64xf32, #tpu.memory_space<vmem>> -> memref<128x64xf32, #tpu.memory_space<vmem>>
        %dma_start3A_561 = tpu.memref_slice %arg6[%mul3A_555] : memref<25600xi32, #tpu.memory_space<vmem>> -> memref<128xi32, #tpu.memory_space<vmem>>
        %dma_start3A_562 = arith.constant 0 : i32
        %dma_start3A_563 = arith.constant 0 : i32
        %dma_start3A_564 = tpu.memref_slice %arg4[%dma_start3A_562, %dma_start3A_563] : memref<2007040x64xf32, #tpu.memory_space<hbm>> -> memref<2007040x64xf32, #tpu.memory_space<hbm>>
        tpu.enqueue_indirect_dma source(%dma_start3A_564 : memref<2007040x64xf32, #tpu.memory_space<hbm>>) target(%dma_start3A_560 : memref<128x64xf32, #tpu.memory_space<vmem>>) offsets(%dma_start3A_561 : memref<128xi32, #tpu.memory_space<vmem>>) semaphore(%arg14 : memref<!tpu.dma_semaphore, #tpu.memory_space<semaphore_mem>>)
        %mul3A_565 = arith.constant 200 : i32
        %mul3A_566 = arith.muli %add3A_553, %mul3A_565 : i32
        %add3A_567 = arith.constant 128 : i32
        %add3A_568 = arith.addi %mul3A_566, %add3A_567 : i32
        %dma_start3A_569 = arith.constant 3 : i32
        %dma_start3A_570 = arith.constant 128 : i32
        %dma_start3A_571 = arith.constant 0 : i32
        %dma_start3A_572 = tpu.memref_slice %arg7[%dma_start3A_569, %dma_start3A_570, %dma_start3A_571] : memref<4x200x64xf32, #tpu.memory_space<vmem>> -> memref<1x72x64xf32, #tpu.memory_space<vmem>>
        %dma_start3A_573 = tpu.memref_squeeze %dma_start3A_572 : memref<1x72x64xf32, #tpu.memory_space<vmem>> -> memref<72x64xf32, #tpu.memory_space<vmem>>
        %dma_start3A_574 = tpu.memref_slice %arg6[%add3A_568] : memref<25600xi32, #tpu.memory_space<vmem>> -> memref<72xi32, #tpu.memory_space<vmem>>
        %dma_start3A_575 = arith.constant 0 : i32
        %dma_start3A_576 = arith.constant 0 : i32
        %dma_start3A_577 = tpu.memref_slice %arg4[%dma_start3A_575, %dma_start3A_576] : memref<2007040x64xf32, #tpu.memory_space<hbm>> -> memref<2007040x64xf32, #tpu.memory_space<hbm>>
        tpu.enqueue_indirect_dma source(%dma_start3A_577 : memref<2007040x64xf32, #tpu.memory_space<hbm>>) target(%dma_start3A_573 : memref<72x64xf32, #tpu.memory_space<vmem>>) offsets(%dma_start3A_574 : memref<72xi32, #tpu.memory_space<vmem>>) semaphore(%arg14 : memref<!tpu.dma_semaphore, #tpu.memory_space<semaphore_mem>>)
      } else {
      }
    }
    %scan3A_157 = arith.constant 32 : i32
    %dma_wait3A = arith.constant 0 : i32
    %dma_wait3A_158 = arith.constant 0 : i32
    %dma_wait3A_159 = tpu.memref_slice %arg4[%dma_wait3A, %dma_wait3A_158] : memref<2007040x64xf32, #tpu.memory_space<hbm>> -> memref<2007040x64xf32, #tpu.memory_space<hbm>>
    tpu.wait_indirect_dma semaphore(%arg15 : memref<!tpu.dma_semaphore, #tpu.memory_space<semaphore_mem>>) src(%dma_wait3A_159 : memref<2007040x64xf32, #tpu.memory_space<hbm>>) dst(%arg10 : memref<128x64xf32, #tpu.memory_space<vmem>>)
    %scan3A_160 = arith.constant 0 : i32
    %scan3A_161 = arith.constant 64 : i32
    %scan3A_162 = arith.addi %scan3A_160, %scan3A_161 : i32
    %scan3A_163 = arith.constant 1 : i32
    scf.for %scan3A_171 = %scan3A_160 to %scan3A_162 step %scan3A_163  : i32 {
      %mul3A_172 = arith.constant 1 : i32
      %mul3A_173 = arith.muli %scan3A_171, %mul3A_172 : i32
      %add3A_174 = arith.constant 0 : i32
      %add3A_175 = arith.addi %add3A_174, %mul3A_173 : i32
      %mul3A_176 = arith.constant 2 : i32
      %mul3A_177 = arith.muli %mul3A_176, %add3A_175 : i32
      %get3A_178 = arith.index_cast %mul3A_177 : i32 to index
      %get3A_179 = arith.constant 0 : index
      %get3A_180 = tpu.vector_load %arg10[%get3A_178, %get3A_179] {strides = array<i32>} : memref<128x64xf32, #tpu.memory_space<vmem>>, vector<1x16xf32>,
      %get3A_181 = vector.shape_cast %get3A_180 : vector<1x16xf32> to vector<16xf32>
      %add3A_182 = arith.constant 64 : i32
      %add3A_183 = arith.addi %add3A_182, %add3A_175 : i32
      %swap3A_184 = arith.index_cast %add3A_183 : i32 to index
      %swap3A_185 = arith.constant 0 : index
      %swap3A_186 = tpu.vector_load %arg8[%swap3A_184, %swap3A_185] {strides = array<i32>} : memref<128x128xf32, #tpu.memory_space<vmem>>, vector<1x16xf32>,
      %swap3A_187 = vector.shape_cast %swap3A_186 : vector<1x16xf32> to vector<16xf32>
      %swap3A_188 = vector.shape_cast %get3A_181 : vector<16xf32> to vector<1x16xf32>
      tpu.vector_store %arg8[%swap3A_184, %swap3A_185], %swap3A_188 {strides = array<i32>} : memref<128x128xf32, #tpu.memory_space<vmem>>, vector<1x16xf32>,
      %mul3A_189 = arith.constant 2 : i32
      %mul3A_190 = arith.muli %mul3A_189, %add3A_175 : i32
      %add3A_191 = arith.constant 1 : i32
      %add3A_192 = arith.addi %mul3A_190, %add3A_191 : i32
      %get3A_193 = arith.index_cast %add3A_192 : i32 to index
      %get3A_194 = arith.constant 0 : index
      %get3A_195 = tpu.vector_load %arg10[%get3A_193, %get3A_194] {strides = array<i32>} : memref<128x64xf32, #tpu.memory_space<vmem>>, vector<1x16xf32>,
      %get3A_196 = vector.shape_cast %get3A_195 : vector<1x16xf32> to vector<16xf32>
      %add3A_197 = arith.constant 64 : i32
      %add3A_198 = arith.addi %add3A_197, %add3A_175 : i32
      %swap3A_199 = arith.index_cast %add3A_198 : i32 to index
      %swap3A_200 = arith.constant 64 : index
      %swap3A_201 = tpu.vector_load %arg8[%swap3A_199, %swap3A_200] {strides = array<i32>} : memref<128x128xf32, #tpu.memory_space<vmem>>, vector<1x16xf32>,
      %swap3A_202 = vector.shape_cast %swap3A_201 : vector<1x16xf32> to vector<16xf32>
      %swap3A_203 = vector.shape_cast %get3A_196 : vector<16xf32> to vector<1x16xf32>
      tpu.vector_store %arg8[%swap3A_199, %swap3A_200], %swap3A_203 {strides = array<i32>} : memref<128x128xf32, #tpu.memory_space<vmem>>, vector<1x16xf32>,
      %mul3A_204 = arith.constant 2 : i32
      %mul3A_205 = arith.muli %mul3A_204, %add3A_175 : i32
      %get3A_206 = arith.index_cast %mul3A_205 : i32 to index
      %get3A_207 = arith.constant 16 : index
      %get3A_208 = tpu.vector_load %arg10[%get3A_206, %get3A_207] {strides = array<i32>} : memref<128x64xf32, #tpu.memory_space<vmem>>, vector<1x16xf32>,
      %get3A_209 = vector.shape_cast %get3A_208 : vector<1x16xf32> to vector<16xf32>
      %add3A_210 = arith.constant 64 : i32
      %add3A_211 = arith.addi %add3A_210, %add3A_175 : i32
      %swap3A_212 = arith.index_cast %add3A_211 : i32 to index
      %swap3A_213 = arith.constant 16 : index
      %swap3A_214 = tpu.vector_load %arg8[%swap3A_212, %swap3A_213] {strides = array<i32>} : memref<128x128xf32, #tpu.memory_space<vmem>>, vector<1x16xf32>,
      %swap3A_215 = vector.shape_cast %swap3A_214 : vector<1x16xf32> to vector<16xf32>
      %swap3A_216 = vector.shape_cast %get3A_209 : vector<16xf32> to vector<1x16xf32>
      tpu.vector_store %arg8[%swap3A_212, %swap3A_213], %swap3A_216 {strides = array<i32>} : memref<128x128xf32, #tpu.memory_space<vmem>>, vector<1x16xf32>,
      %mul3A_217 = arith.constant 2 : i32
      %mul3A_218 = arith.muli %mul3A_217, %add3A_175 : i32
      %add3A_219 = arith.constant 1 : i32
      %add3A_220 = arith.addi %mul3A_218, %add3A_219 : i32
      %get3A_221 = arith.index_cast %add3A_220 : i32 to index
      %get3A_222 = arith.constant 16 : index
      %get3A_223 = tpu.vector_load %arg10[%get3A_221, %get3A_222] {strides = array<i32>} : memref<128x64xf32, #tpu.memory_space<vmem>>, vector<1x16xf32>,
      %get3A_224 = vector.shape_cast %get3A_223 : vector<1x16xf32> to vector<16xf32>
      %add3A_225 = arith.constant 64 : i32
      %add3A_226 = arith.addi %add3A_225, %add3A_175 : i32
      %swap3A_227 = arith.index_cast %add3A_226 : i32 to index
      %swap3A_228 = arith.constant 80 : index
      %swap3A_229 = tpu.vector_load %arg8[%swap3A_227, %swap3A_228] {strides = array<i32>} : memref<128x128xf32, #tpu.memory_space<vmem>>, vector<1x16xf32>,
      %swap3A_230 = vector.shape_cast %swap3A_229 : vector<1x16xf32> to vector<16xf32>
      %swap3A_231 = vector.shape_cast %get3A_224 : vector<16xf32> to vector<1x16xf32>
      tpu.vector_store %arg8[%swap3A_227, %swap3A_228], %swap3A_231 {strides = array<i32>} : memref<128x128xf32, #tpu.memory_space<vmem>>, vector<1x16xf32>,
      %mul3A_232 = arith.constant 2 : i32
      %mul3A_233 = arith.muli %mul3A_232, %add3A_175 : i32
      %get3A_234 = arith.index_cast %mul3A_233 : i32 to index
      %get3A_235 = arith.constant 32 : index
      %get3A_236 = tpu.vector_load %arg10[%get3A_234, %get3A_235] {strides = array<i32>} : memref<128x64xf32, #tpu.memory_space<vmem>>, vector<1x16xf32>,
      %get3A_237 = vector.shape_cast %get3A_236 : vector<1x16xf32> to vector<16xf32>
      %add3A_238 = arith.constant 64 : i32
      %add3A_239 = arith.addi %add3A_238, %add3A_175 : i32
      %swap3A_240 = arith.index_cast %add3A_239 : i32 to index
      %swap3A_241 = arith.constant 32 : index
      %swap3A_242 = tpu.vector_load %arg8[%swap3A_240, %swap3A_241] {strides = array<i32>} : memref<128x128xf32, #tpu.memory_space<vmem>>, vector<1x16xf32>,
      %swap3A_243 = vector.shape_cast %swap3A_242 : vector<1x16xf32> to vector<16xf32>
      %swap3A_244 = vector.shape_cast %get3A_237 : vector<16xf32> to vector<1x16xf32>
      tpu.vector_store %arg8[%swap3A_240, %swap3A_241], %swap3A_244 {strides = array<i32>} : memref<128x128xf32, #tpu.memory_space<vmem>>, vector<1x16xf32>,
      %mul3A_245 = arith.constant 2 : i32
      %mul3A_246 = arith.muli %mul3A_245, %add3A_175 : i32
      %add3A_247 = arith.constant 1 : i32
      %add3A_248 = arith.addi %mul3A_246, %add3A_247 : i32
      %get3A_249 = arith.index_cast %add3A_248 : i32 to index
      %get3A_250 = arith.constant 32 : index
      %get3A_251 = tpu.vector_load %arg10[%get3A_249, %get3A_250] {strides = array<i32>} : memref<128x64xf32, #tpu.memory_space<vmem>>, vector<1x16xf32>,
      %get3A_252 = vector.shape_cast %get3A_251 : vector<1x16xf32> to vector<16xf32>
      %add3A_253 = arith.constant 64 : i32
      %add3A_254 = arith.addi %add3A_253, %add3A_175 : i32
      %swap3A_255 = arith.index_cast %add3A_254 : i32 to index
      %swap3A_256 = arith.constant 96 : index
      %swap3A_257 = tpu.vector_load %arg8[%swap3A_255, %swap3A_256] {strides = array<i32>} : memref<128x128xf32, #tpu.memory_space<vmem>>, vector<1x16xf32>,
      %swap3A_258 = vector.shape_cast %swap3A_257 : vector<1x16xf32> to vector<16xf32>
      %swap3A_259 = vector.shape_cast %get3A_252 : vector<16xf32> to vector<1x16xf32>
      tpu.vector_store %arg8[%swap3A_255, %swap3A_256], %swap3A_259 {strides = array<i32>} : memref<128x128xf32, #tpu.memory_space<vmem>>, vector<1x16xf32>,
      %mul3A_260 = arith.constant 2 : i32
      %mul3A_261 = arith.muli %mul3A_260, %add3A_175 : i32
      %get3A_262 = arith.index_cast %mul3A_261 : i32 to index
      %get3A_263 = arith.constant 48 : index
      %get3A_264 = tpu.vector_load %arg10[%get3A_262, %get3A_263] {strides = array<i32>} : memref<128x64xf32, #tpu.memory_space<vmem>>, vector<1x16xf32>,
      %get3A_265 = vector.shape_cast %get3A_264 : vector<1x16xf32> to vector<16xf32>
      %add3A_266 = arith.constant 64 : i32
      %add3A_267 = arith.addi %add3A_266, %add3A_175 : i32
      %swap3A_268 = arith.index_cast %add3A_267 : i32 to index
      %swap3A_269 = arith.constant 48 : index
      %swap3A_270 = tpu.vector_load %arg8[%swap3A_268, %swap3A_269] {strides = array<i32>} : memref<128x128xf32, #tpu.memory_space<vmem>>, vector<1x16xf32>,
      %swap3A_271 = vector.shape_cast %swap3A_270 : vector<1x16xf32> to vector<16xf32>
      %swap3A_272 = vector.shape_cast %get3A_265 : vector<16xf32> to vector<1x16xf32>
      tpu.vector_store %arg8[%swap3A_268, %swap3A_269], %swap3A_272 {strides = array<i32>} : memref<128x128xf32, #tpu.memory_space<vmem>>, vector<1x16xf32>,
      %mul3A_273 = arith.constant 2 : i32
      %mul3A_274 = arith.muli %mul3A_273, %add3A_175 : i32
      %add3A_275 = arith.constant 1 : i32
      %add3A_276 = arith.addi %mul3A_274, %add3A_275 : i32
      %get3A_277 = arith.index_cast %add3A_276 : i32 to index
      %get3A_278 = arith.constant 48 : index
      %get3A_279 = tpu.vector_load %arg10[%get3A_277, %get3A_278] {strides = array<i32>} : memref<128x64xf32, #tpu.memory_space<vmem>>, vector<1x16xf32>,
      %get3A_280 = vector.shape_cast %get3A_279 : vector<1x16xf32> to vector<16xf32>
      %add3A_281 = arith.constant 64 : i32
      %add3A_282 = arith.addi %add3A_281, %add3A_175 : i32
      %swap3A_283 = arith.index_cast %add3A_282 : i32 to index
      %swap3A_284 = arith.constant 112 : index
      %swap3A_285 = tpu.vector_load %arg8[%swap3A_283, %swap3A_284] {strides = array<i32>} : memref<128x128xf32, #tpu.memory_space<vmem>>, vector<1x16xf32>,
      %swap3A_286 = vector.shape_cast %swap3A_285 : vector<1x16xf32> to vector<16xf32>
      %swap3A_287 = vector.shape_cast %get3A_280 : vector<16xf32> to vector<1x16xf32>
      tpu.vector_store %arg8[%swap3A_283, %swap3A_284], %swap3A_287 {strides = array<i32>} : memref<128x128xf32, #tpu.memory_space<vmem>>, vector<1x16xf32>,
    }
    %scan3A_164 = arith.constant 64 : i32
    %mul3A_165 = arith.constant 64 : i32
    %mul3A_166 = arith.muli %add3A, %mul3A_165 : i32
    "tpu.region"() ({
      %run_scoped3A = tpu.sem_alloc : memref<!tpu.dma_semaphore, #tpu.memory_space<semaphore_mem>>
      %dma_start3A_171 = arith.constant 0 : i32
      %dma_start3A_172 = arith.constant 0 : i32
      %dma_start3A_173 = tpu.memref_slice %arg8[%dma_start3A_171, %dma_start3A_172] : memref<128x128xf32, #tpu.memory_space<vmem>> -> memref<64x128xf32, #tpu.memory_space<vmem>>
      %dma_start3A_174 = arith.constant 0 : i32
      %dma_start3A_175 = tpu.memref_slice %arg5[%mul3A_166, %dma_start3A_174] : memref<4096x128xf32, #tpu.memory_space<hbm>> -> memref<64x128xf32, #tpu.memory_space<hbm>>
      %dma_start3A_176 = arith.constant 0 : i32
      %dma_start3A_177 = tpu.memref_slice %arg5[%mul3A_166, %dma_start3A_176] : memref<4096x128xf32, #tpu.memory_space<hbm>> -> memref<64x128xf32, #tpu.memory_space<hbm>>
      %dma_start3A_178 = arith.constant 0 : i32
      %dma_start3A_179 = arith.constant 0 : i32
      %dma_start3A_180 = tpu.memref_slice %arg8[%dma_start3A_178, %dma_start3A_179] : memref<128x128xf32, #tpu.memory_space<vmem>> -> memref<64x128xf32, #tpu.memory_space<vmem>>
      tpu.enqueue_dma source(%dma_start3A_180 : memref<64x128xf32, #tpu.memory_space<vmem>>) target(%dma_start3A_177 : memref<64x128xf32, #tpu.memory_space<hbm>>) target_semaphore(%run_scoped3A : memref<!tpu.dma_semaphore, #tpu.memory_space<semaphore_mem>>)
      %dma_wait3A_181 = arith.constant 0 : i32
      %dma_wait3A_182 = arith.constant 0 : i32
      %dma_wait3A_183 = tpu.memref_slice %arg8[%dma_wait3A_181, %dma_wait3A_182] : memref<128x128xf32, #tpu.memory_space<vmem>> -> memref<64x128xf32, #tpu.memory_space<vmem>>
      %dma_wait3A_184 = arith.constant 0 : i32
      %dma_wait3A_185 = tpu.memref_slice %arg5[%mul3A_166, %dma_wait3A_184] : memref<4096x128xf32, #tpu.memory_space<hbm>> -> memref<64x128xf32, #tpu.memory_space<hbm>>
      %dma_wait3A_186 = arith.constant 0 : i32
      %dma_wait3A_187 = tpu.memref_slice %arg5[%mul3A_166, %dma_wait3A_186] : memref<4096x128xf32, #tpu.memory_space<hbm>> -> memref<64x128xf32, #tpu.memory_space<hbm>>
      %dma_wait3A_188 = arith.constant 0 : i32
      %dma_wait3A_189 = arith.constant 0 : i32
      %dma_wait3A_190 = tpu.memref_slice %arg8[%dma_wait3A_188, %dma_wait3A_189] : memref<128x128xf32, #tpu.memory_space<vmem>> -> memref<64x128xf32, #tpu.memory_space<vmem>>
      tpu.wait_dma2 semaphore(%run_scoped3A : memref<!tpu.dma_semaphore, #tpu.memory_space<semaphore_mem>>) src(%dma_wait3A_190 : memref<64x128xf32, #tpu.memory_space<vmem>>) dst(%dma_wait3A_187 : memref<64x128xf32, #tpu.memory_space<hbm>>)
      tpu.yield
    }) : () -> ()
    %mul3A_167 = arith.constant 64 : i32
    %mul3A_168 = arith.muli %add3A, %mul3A_167 : i32
    %add3A_169 = arith.constant 2048 : i32
    %add3A_170 = arith.addi %add3A_169, %mul3A_168 : i32
    "tpu.region"() ({
      %run_scoped3A = tpu.sem_alloc : memref<!tpu.dma_semaphore, #tpu.memory_space<semaphore_mem>>
      %dma_start3A_171 = arith.constant 64 : i32
      %dma_start3A_172 = arith.constant 0 : i32
      %dma_start3A_173 = tpu.memref_slice %arg8[%dma_start3A_171, %dma_start3A_172] : memref<128x128xf32, #tpu.memory_space<vmem>> -> memref<64x128xf32, #tpu.memory_space<vmem>>
      %dma_start3A_174 = arith.constant 0 : i32
      %dma_start3A_175 = tpu.memref_slice %arg5[%add3A_170, %dma_start3A_174] : memref<4096x128xf32, #tpu.memory_space<hbm>> -> memref<64x128xf32, #tpu.memory_space<hbm>>
      %dma_start3A_176 = arith.constant 0 : i32
      %dma_start3A_177 = tpu.memref_slice %arg5[%add3A_170, %dma_start3A_176] : memref<4096x128xf32, #tpu.memory_space<hbm>> -> memref<64x128xf32, #tpu.memory_space<hbm>>
      %dma_start3A_178 = arith.constant 64 : i32
      %dma_start3A_179 = arith.constant 0 : i32
      %dma_start3A_180 = tpu.memref_slice %arg8[%dma_start3A_178, %dma_start3A_179] : memref<128x128xf32, #tpu.memory_space<vmem>> -> memref<64x128xf32, #tpu.memory_space<vmem>>
      tpu.enqueue_dma source(%dma_start3A_180 : memref<64x128xf32, #tpu.memory_space<vmem>>) target(%dma_start3A_177 : memref<64x128xf32, #tpu.memory_space<hbm>>) target_semaphore(%run_scoped3A : memref<!tpu.dma_semaphore, #tpu.memory_space<semaphore_mem>>)
      %dma_wait3A_181 = arith.constant 64 : i32
      %dma_wait3A_182 = arith.constant 0 : i32
      %dma_wait3A_183 = tpu.memref_slice %arg8[%dma_wait3A_181, %dma_wait3A_182] : memref<128x128xf32, #tpu.memory_space<vmem>> -> memref<64x128xf32, #tpu.memory_space<vmem>>
      %dma_wait3A_184 = arith.constant 0 : i32
      %dma_wait3A_185 = tpu.memref_slice %arg5[%add3A_170, %dma_wait3A_184] : memref<4096x128xf32, #tpu.memory_space<hbm>> -> memref<64x128xf32, #tpu.memory_space<hbm>>
      %dma_wait3A_186 = arith.constant 0 : i32
      %dma_wait3A_187 = tpu.memref_slice %arg5[%add3A_170, %dma_wait3A_186] : memref<4096x128xf32, #tpu.memory_space<hbm>> -> memref<64x128xf32, #tpu.memory_space<hbm>>
      %dma_wait3A_188 = arith.constant 64 : i32
      %dma_wait3A_189 = arith.constant 0 : i32
      %dma_wait3A_190 = tpu.memref_slice %arg8[%dma_wait3A_188, %dma_wait3A_189] : memref<128x128xf32, #tpu.memory_space<vmem>> -> memref<64x128xf32, #tpu.memory_space<vmem>>
      tpu.wait_dma2 semaphore(%run_scoped3A : memref<!tpu.dma_semaphore, #tpu.memory_space<semaphore_mem>>) src(%dma_wait3A_190 : memref<64x128xf32, #tpu.memory_space<vmem>>) dst(%dma_wait3A_187 : memref<64x128xf32, #tpu.memory_space<hbm>>)
      tpu.yield
    }) : () -> ()
    return
  }
}

module attributes {stable_mosaic.version = 14 : i64} {
  func.func @_transpose_pad_body(%arg0: i32, %arg1: memref<64x4096xf32, #tpu.memory_space<vmem>>, %arg2: memref<4096x128xf32, #tpu.memory_space<vmem>>) attributes {dimension_semantics = [#tpu.dimension_semantics<arbitrary>], iteration_bounds = array<i64: 245>, scalar_prefetch = 0 : i64, scratch_operands = 0 : i64, tpu.core_type = #tpu.core_type<tc>, window_params = [{transform_indices = @transform_0, window_bounds = array<i64: 64, 4096>}, {transform_indices = @transform_1, window_bounds = array<i64: 4096, 128>}]} {
    %get3A = arith.constant 0 : index
    %get3A_0 = arith.constant 0 : index
    %get3A_1 = vector.load %arg1[%get3A, %get3A_0] : memref<64x4096xf32, #tpu.memory_space<vmem>>, vector<64x4096xf32>
    %transpose3A = tpu.transpose %get3A_1, [1, 0] : vector<64x4096xf32> -> vector<4096x64xf32>
    %broadcast_in_dim3A = arith.constant 0.000000e+00 : f32
    %broadcast_in_dim3A_2 = vector.broadcast %broadcast_in_dim3A : f32 to vector<4096x64xf32>
    %concatenate3A = tpu.concatenate %transpose3A, %broadcast_in_dim3A_2 in 1 : vector<4096x64xf32>, vector<4096x64xf32> -> vector<4096x128xf32>
    %swap3A = arith.constant 0 : index
    %swap3A_3 = arith.constant 0 : index
    %swap3A_4 = vector.load %arg2[%swap3A, %swap3A_3] : memref<4096x128xf32, #tpu.memory_space<vmem>>, vector<4096x128xf32>
    tpu.vector_store %arg2[%swap3A, %swap3A_3], %concatenate3A {strides = array<i32>} : memref<4096x128xf32, #tpu.memory_space<vmem>>, vector<4096x128xf32>,
    return
  }
  func.func @transform_0(%arg0: i32) -> (i32, i32) {
    %c0_i32 = arith.constant 0 : i32
    %c0_i32_0 = arith.constant 0 : i32
    return %c0_i32, %arg0 : i32, i32
  }
  func.func @transform_1(%arg0: i32) -> (i32, i32) {
    %c0_i32 = arith.constant 0 : i32
    %c0_i32_0 = arith.constant 0 : i32
    return %arg0, %c0_i32 : i32, i32
  }
}

module attributes {stable_mosaic.version = 14 : i64} {
  func.func @_mlp_body(%arg0: i32, %arg1: memref<256x128xf32, #tpu.memory_space<vmem>>, %arg2: memref<256x128xf32, #tpu.memory_space<vmem>>, %arg3: memref<256x128xf32, #tpu.memory_space<vmem>>, %arg4: memref<128x128xf32, #tpu.memory_space<vmem>>, %arg5: memref<128x128xf32, #tpu.memory_space<vmem>>, %arg6: memref<128x128xf32, #tpu.memory_space<vmem>>, %arg7: memref<1x128xf32, #tpu.memory_space<vmem>>, %arg8: memref<1x128xf32, #tpu.memory_space<vmem>>, %arg9: memref<1x1xf32, #tpu.memory_space<vmem>>, %arg10: memref<256x2xf32, #tpu.memory_space<vmem>>) attributes {dimension_semantics = [#tpu.dimension_semantics<arbitrary>], iteration_bounds = array<i64: 8>, scalar_prefetch = 0 : i64, scratch_operands = 0 : i64, tpu.core_type = #tpu.core_type<tc>, window_params = [{transform_indices = @transform_0, window_bounds = array<i64: 256, 128>}, {transform_indices = @transform_1, window_bounds = array<i64: 256, 128>}, {transform_indices = @transform_2, window_bounds = array<i64: 256, 128>}, {pipeline_mode = #tpu.pipeline_mode<synchronous>, transform_indices = @transform_3, window_bounds = array<i64: 128, 128>}, {pipeline_mode = #tpu.pipeline_mode<synchronous>, transform_indices = @transform_4, window_bounds = array<i64: 128, 128>}, {pipeline_mode = #tpu.pipeline_mode<synchronous>, transform_indices = @transform_5, window_bounds = array<i64: 128, 128>}, {pipeline_mode = #tpu.pipeline_mode<synchronous>, transform_indices = @transform_6, window_bounds = array<i64: 1, 128>}, {pipeline_mode = #tpu.pipeline_mode<synchronous>, transform_indices = @transform_7, window_bounds = array<i64: 1, 128>}, {pipeline_mode = #tpu.pipeline_mode<synchronous>, transform_indices = @transform_8, window_bounds = array<i64: 1, 1>}, {transform_indices = @transform_9, window_bounds = array<i64: 256, 2>}]} {
    %get3A = arith.constant 0 : index
    %get3A_0 = arith.constant 0 : index
    %get3A_1 = vector.load %arg1[%get3A, %get3A_0] : memref<256x128xf32, #tpu.memory_space<vmem>>, vector<256x128xf32>
    %get3A_2 = arith.constant 0 : index
    %get3A_3 = arith.constant 0 : index
    %get3A_4 = vector.load %arg4[%get3A_2, %get3A_3] : memref<128x128xf32, #tpu.memory_space<vmem>>, vector<128x128xf32>
    %dot_general3A = arith.constant dense<0.000000e+00> : vector<256x128xf32>
    %dot_general3A_5 = tpu.matmul %get3A_1, %get3A_4, %dot_general3A {dimension_numbers = #tpu.dot_dimension_numbers<[1], [0], [0], [1], [0, 0, 1, 1], [], []>, transpose_lhs_hint = false} : vector<256x128xf32>, vector<128x128xf32>, vector<256x128xf32> -> vector<256x128xf32>
    %get3A_6 = arith.constant 0 : index
    %get3A_7 = arith.constant 0 : index
    %get3A_8 = vector.load %arg2[%get3A_6, %get3A_7] : memref<256x128xf32, #tpu.memory_space<vmem>>, vector<256x128xf32>
    %get3A_9 = arith.constant 0 : index
    %get3A_10 = arith.constant 0 : index
    %get3A_11 = vector.load %arg5[%get3A_9, %get3A_10] : memref<128x128xf32, #tpu.memory_space<vmem>>, vector<128x128xf32>
    %dot_general3A_12 = arith.constant dense<0.000000e+00> : vector<256x128xf32>
    %dot_general3A_13 = tpu.matmul %get3A_8, %get3A_11, %dot_general3A_12 {dimension_numbers = #tpu.dot_dimension_numbers<[1], [0], [0], [1], [0, 0, 1, 1], [], []>, transpose_lhs_hint = false} : vector<256x128xf32>, vector<128x128xf32>, vector<256x128xf32> -> vector<256x128xf32>
    %add3A = arith.addf %dot_general3A_5, %dot_general3A_13 : vector<256x128xf32>
    %get3A_14 = arith.constant 0 : index
    %get3A_15 = arith.constant 0 : index
    %get3A_16 = vector.load %arg3[%get3A_14, %get3A_15] : memref<256x128xf32, #tpu.memory_space<vmem>>, vector<256x128xf32>
    %get3A_17 = arith.constant 0 : index
    %get3A_18 = arith.constant 0 : index
    %get3A_19 = vector.load %arg6[%get3A_17, %get3A_18] : memref<128x128xf32, #tpu.memory_space<vmem>>, vector<128x128xf32>
    %dot_general3A_20 = arith.constant dense<0.000000e+00> : vector<256x128xf32>
    %dot_general3A_21 = tpu.matmul %get3A_16, %get3A_19, %dot_general3A_20 {dimension_numbers = #tpu.dot_dimension_numbers<[1], [0], [0], [1], [0, 0, 1, 1], [], []>, transpose_lhs_hint = false} : vector<256x128xf32>, vector<128x128xf32>, vector<256x128xf32> -> vector<256x128xf32>
    %add3A_22 = arith.addf %add3A, %dot_general3A_21 : vector<256x128xf32>
    %get3A_23 = arith.constant 0 : index
    %get3A_24 = arith.constant 0 : index
    %get3A_25 = vector.load %arg7[%get3A_23, %get3A_24] : memref<1x128xf32, #tpu.memory_space<vmem>>, vector<1x128xf32>
    %add3A_26 = vector.broadcast %get3A_25 : vector<1x128xf32> to vector<256x128xf32>
    %add3A_27 = arith.addf %add3A_22, %add3A_26 : vector<256x128xf32>
    %max3A = arith.constant 0.000000e+00 : f32
    %max3A_28 = vector.broadcast %max3A : f32 to vector<256x128xf32>
    %max3A_29 = arith.maximumf %add3A_27, %max3A_28 : vector<256x128xf32>
    %get3A_30 = arith.constant 0 : index
    %get3A_31 = arith.constant 0 : index
    %get3A_32 = vector.load %arg8[%get3A_30, %get3A_31] : memref<1x128xf32, #tpu.memory_space<vmem>>, vector<1x128xf32>
    %mul3A = vector.broadcast %get3A_32 : vector<1x128xf32> to vector<256x128xf32>
    %mul3A_33 = arith.mulf %max3A_29, %mul3A : vector<256x128xf32>
    %slice3A = vector.extract_strided_slice %mul3A_33 {offsets = [0, 0], sizes = [256, 64], strides = [1, 1]} : vector<256x128xf32> to vector<256x64xf32>
    %reduce_sum3A = arith.constant dense<0.000000e+00> : vector<256xf32>
    %reduce_sum3A_34 = vector.multi_reduction <add>, %slice3A, %reduce_sum3A [1] : vector<256x64xf32> to vector<256xf32>
    %slice3A_35 = vector.extract_strided_slice %mul3A_33 {offsets = [0, 64], sizes = [256, 64], strides = [1, 1]} : vector<256x128xf32> to vector<256x64xf32>
    %reduce_sum3A_36 = arith.constant dense<0.000000e+00> : vector<256xf32>
    %reduce_sum3A_37 = vector.multi_reduction <add>, %slice3A_35, %reduce_sum3A_36 [1] : vector<256x64xf32> to vector<256xf32>
    %stack3A = vector.shape_cast %reduce_sum3A_34 : vector<256xf32> to vector<256x1xf32>
    %stack3A_38 = vector.shape_cast %reduce_sum3A_37 : vector<256xf32> to vector<256x1xf32>
    %stack3A_39 = tpu.concatenate %stack3A, %stack3A_38 in 1 : vector<256x1xf32>, vector<256x1xf32> -> vector<256x2xf32>
    %get3A_40 = arith.constant 0 : index
    %get3A_41 = arith.constant 0 : index
    %get3A_42 = vector.load %arg9[%get3A_40, %get3A_41] : memref<1x1xf32, #tpu.memory_space<vmem>>, vector<1x1xf32>
    %add3A_43 = vector.broadcast %get3A_42 : vector<1x1xf32> to vector<256x2xf32>
    %add3A_44 = arith.addf %stack3A_39, %add3A_43 : vector<256x2xf32>
    %swap3A = arith.constant 0 : index
    %swap3A_45 = arith.constant 0 : index
    %swap3A_46 = vector.load %arg10[%swap3A, %swap3A_45] : memref<256x2xf32, #tpu.memory_space<vmem>>, vector<256x2xf32>
    tpu.vector_store %arg10[%swap3A, %swap3A_45], %add3A_44 {strides = array<i32>} : memref<256x2xf32, #tpu.memory_space<vmem>>, vector<256x2xf32>,
    return
  }
  func.func @transform_0(%arg0: i32) -> (i32, i32) {
    %c0_i32 = arith.constant 0 : i32
    %c0_i32_0 = arith.constant 0 : i32
    return %arg0, %c0_i32 : i32, i32
  }
  func.func @transform_1(%arg0: i32) -> (i32, i32) {
    %add3A = arith.constant 8 : i32
    %add3A_0 = arith.addi %add3A, %arg0 : i32
    %c0_i32 = arith.constant 0 : i32
    %c0_i32_1 = arith.constant 0 : i32
    return %add3A_0, %c0_i32 : i32, i32
  }
  func.func @transform_2(%arg0: i32) -> (i32, i32) {
    %c0_i32 = arith.constant 0 : i32
    %c0_i32_0 = arith.constant 0 : i32
    return %arg0, %c0_i32 : i32, i32
  }
  func.func @transform_3(%arg0: i32) -> (i32, i32) {
    %c0_i32 = arith.constant 0 : i32
    %c0_i32_0 = arith.constant 0 : i32
    %c0_i32_1 = arith.constant 0 : i32
    return %c0_i32, %c0_i32_0 : i32, i32
  }
  func.func @transform_4(%arg0: i32) -> (i32, i32) {
    %c0_i32 = arith.constant 0 : i32
    %c0_i32_0 = arith.constant 0 : i32
    %c0_i32_1 = arith.constant 0 : i32
    return %c0_i32, %c0_i32_0 : i32, i32
  }
  func.func @transform_5(%arg0: i32) -> (i32, i32) {
    %c0_i32 = arith.constant 0 : i32
    %c0_i32_0 = arith.constant 0 : i32
    %c0_i32_1 = arith.constant 0 : i32
    return %c0_i32, %c0_i32_0 : i32, i32
  }
  func.func @transform_6(%arg0: i32) -> (i32, i32) {
    %c0_i32 = arith.constant 0 : i32
    %c0_i32_0 = arith.constant 0 : i32
    %c0_i32_1 = arith.constant 0 : i32
    return %c0_i32, %c0_i32_0 : i32, i32
  }
  func.func @transform_7(%arg0: i32) -> (i32, i32) {
    %c0_i32 = arith.constant 0 : i32
    %c0_i32_0 = arith.constant 0 : i32
    %c0_i32_1 = arith.constant 0 : i32
    return %c0_i32, %c0_i32_0 : i32, i32
  }
  func.func @transform_8(%arg0: i32) -> (i32, i32) {
    %c0_i32 = arith.constant 0 : i32
    %c0_i32_0 = arith.constant 0 : i32
    %c0_i32_1 = arith.constant 0 : i32
    return %c0_i32, %c0_i32_0 : i32, i32
  }
  func.func @transform_9(%arg0: i32) -> (i32, i32) {
    %c0_i32 = arith.constant 0 : i32
    %c0_i32_0 = arith.constant 0 : i32
    return %arg0, %c0_i32 : i32, i32
  }
}

</mosaic_0001>

<sc_bundles>
// kernel: gather_offload_async_start
scs
__scs_entry_jumppad:
0x0: {  	(pc) =	sbr.rel $0x88, $3  }
0x1: {  	(tag) =	ssettag $0x0;
	lr =	simm.s32 $0x1  }
0x2: {  	[smem:$0x3F98] =	sst lr;
	_ =	strace $0xD0000000  }
0x3: {  	_ = 	snop  }
0x4: {  	_ = 	snop  }
0x5: {  	_ = 	snop  }
0x6: {  	_ = 	snop  }
0x7: {  	_ = 	snop  }
__scs_overlays_trampoline_lowered:
0x8: {  	[smem:$0x3FA7] =	sst s0  }
0x9: {  	[smem:$0x3FA8] =	sst s1  }
0xa: {  	[smem:$0x3FA9] =	sst s2  }
0xb: {  	[smem:$0x3FAA] =	sst s3  }
0xc: {  	[smem:$0x3FAB] =	sst s4  }
0xd: {  	[smem:$0x3FAC] =	sst s5  }
0xe: {  	[smem:$0x3FAD] =	sst s6  }
0xf: {  	[smem:$0x3FAE] =	sst s7  }
0x10: {  	[smem:$0x3FAF] =	sst s8  }
0x11: {  	[smem:$0x3FB0] =	sst s9;
	s0 =	simm.s32 @!p0 $0x0  }
0x12: {  	s1 =	sld [smem:$0x3F96];
	s0 =	simm.s32 @p0 $0x1  }
0x13: {  	[smem:$0x3FB1] =	sst s0;
	s0 =	simm.s32 @!p1 $0x0  }
0x14: {  	s2 =	sld [smem:$0x3F95];
	s0 =	simm.s32 @p1 $0x1  }
0x15: {  	[smem:$0x3FB2] =	sst s0;
	s0 =	simm.s32 @!p2 $0x0  }
0x16: {  	s3 =	sld [smem:$0x3FDB];
	s0 =	simm.s32 @p2 $0x1  }
0x17: {  	s4 =	simm.s32 $0x1BF5;
	[smem:$0x3FB4] =	sst s0  }
0x18: {  	s0 =	sld [smem:$0x3F97];
	_ =	swait.ge [sflag:s4], $0x0  }
0x19: {  	s7 =	sld [smem:$0x3F98]  }
0x1a: {  	s8 =	sadd.s32 $0xFFFFE003, lr  }
0x1b: {  	s9 =	sadd.s32 $0xFFFFFEF7, lr;
	s5 =	simm.s32 $0xFFFFFFFF;
	p2 =	slt.u32 s8, $0xFFFFF086  }
0x1c: {  	p1 =	slt.u32 s9, $0xF7A;
	s5 =	simm.s32 @!p2 $0x0  }
0x1d: {  	s5 =	simm.s32 @p1 $0x1;
	p0 =	seq.s32 s7, s2  }
0x1e: {  	s7 =	smul.u32 @!p0 $0xF7A, s2;
	p2 =	seq.s32 @!p0 s5, $0x0  }
0x1f: {  	s9 =	smul.u32 $0xF7A, s1;
	s8 =	simm.s32 @!p0 $0x1BF5;
	p2 =	por !p2, p0  }
0x20: {  	[sflag:s8] =	ssyncset.s32 @!p0 $0xFFFFF086;
	s6 =	sadd.s32 @!p0 s3, s7;
	s7 =	simm.s32 @!p0 $0x108  }
0x21: {  	s3 =	sadd.s32 s3, s9;
	s6 =	sadd.s32 @!p0 $0x88, s6;
	s7 =	simm.s32 @p2 $0x1082  }
0x22: {  	[simem:s7], [sflag:s8] =	dma.local @!p0 [hbm:s6], $0xF7A  }
0x23: {  	s9 =	sor.u32 $0xD0000000, s2;
	s6 =	simm.s32 $0x108;
	_ =	swait.ge @!p0 [sflag:s8], $0x0  }
0x24: {  	s3 =	sadd.s32 $0x88, s3;
	s6 =	simm.s32 @!p1 $0x1082;
	[sflag:s4] =	ssyncset.s32 $0xFFFFF086  }
0x25: {  	[simem:s6], [sflag:s4] =	dma.local [hbm:s3], $0xF7A  }
0x26: {  	[smem:$0x3F98] =	sst s1;
	(tag) =	ssettag s2;
	_ =	strace s9  }
0x27: {  	s1 =	sld [smem:$0x3FA8]  }
0x28: {  	s2 =	sld [smem:$0x3FA9]  }
0x29: {  	s4 =	sld [smem:$0x3FAB]  }
0x2a: {  	p0 =	seq.s32 s5, $0x0;
	s5 =	sld [smem:$0x3FAC]  }
0x2b: {  	s6 =	sld [smem:$0x3FAD]  }
0x2c: {  	s7 =	sld [smem:$0x3FAE]  }
0x2d: {  	s3 =	simm.s32 $0x108;
	s8 =	sld [smem:$0x3FAF]  }
0x2e: {  	s3 =	simm.s32 @!p0 $0x1082;
	s9 =	sld [smem:$0x3FB0]  }
0x2f: {  	lr =	sadd.s32 s0, s3;
	s0 =	sld [smem:$0x3FA7]  }
0x30: {  	s3 =	sld [smem:$0x3FAA]  }
0x31: {  	[smem:$0x3FB3] =	sst s10  }
0x32: {  	s10 =	sld [smem:$0x3FB1];
	_ =	sdelay $0x3  }
0x33: {  	p0 =	seq.s32 s10, $0x1;
	s10 =	sld [smem:$0x3FB3];
	_ =	sdelay $0x3  }
0x34: {  	[smem:$0x3FB3] =	sst s10  }
0x35: {  	s10 =	sld [smem:$0x3FB2];
	_ =	sdelay $0x3  }
0x36: {  	p1 =	seq.s32 s10, $0x1;
	s10 =	sld [smem:$0x3FB3];
	_ =	sdelay $0x3  }
0x37: {  	[smem:$0x3FB3] =	sst s10  }
0x38: {  	s10 =	sld [smem:$0x3FB4]  }
0x39: {  	_ = 	snop;
	(pc) =	sbr.ind lr, $3  }
0x3a: {  	_ = 	snop  }
0x3b: {  	_ = 	snop  }
0x3c: {  	p2 =	seq.s32 s10, $0x1;
	s10 =	sld [smem:$0x3FB3]  }
0x3d: {  	_ =	shalt  }
0x3e: {  	_ =	shalt  }
0x3f: {  	_ =	shalt  }
0x40: {  	_ =	shalt  }
0x41: {  	_ =	shalt  }
0x42: {  	_ =	shalt  }
0x43: {  	_ =	shalt  }
0x44: {  	_ =	shalt  }
0x45: {  	_ =	shalt  }
0x46: {  	_ =	shalt  }
0x47: {  	_ =	shalt  }
0x48: {  	_ =	shalt  }
0x49: {  	_ =	shalt  }
0x4a: {  	_ =	shalt  }
0x4b: {  	_ =	shalt  }
0x4c: {  	_ =	shalt  }
0x4d: {  	_ =	shalt  }
0x4e: {  	_ =	shalt  }
0x4f: {  	_ =	shalt  }
0x50: {  	_ =	shalt  }
0x51: {  	_ =	shalt  }
0x52: {  	_ =	shalt  }
0x53: {  	_ =	shalt  }
0x54: {  	_ =	shalt  }
0x55: {  	_ =	shalt  }
0x56: {  	_ =	shalt  }
0x57: {  	_ =	shalt  }
0x58: {  	_ =	shalt  }
0x59: {  	_ =	shalt  }
0x5a: {  	_ =	shalt  }
0x5b: {  	_ =	shalt  }
0x5c: {  	_ =	shalt  }
0x5d: {  	_ =	shalt  }
0x5e: {  	_ =	shalt  }
0x5f: {  	_ =	shalt  }
0x60: {  	_ =	shalt  }
0x61: {  	_ =	shalt  }
0x62: {  	_ =	shalt  }
0x63: {  	_ =	shalt  }
0x64: {  	_ =	shalt  }
0x65: {  	_ =	shalt  }
0x66: {  	_ =	shalt  }
0x67: {  	_ =	shalt  }
0x68: {  	_ =	shalt  }
0x69: {  	_ =	shalt  }
0x6a: {  	_ =	shalt  }
0x6b: {  	_ =	shalt  }
0x6c: {  	_ =	shalt  }
0x6d: {  	_ =	shalt  }
0x6e: {  	_ =	shalt  }
0x6f: {  	_ =	shalt  }
0x70: {  	_ =	shalt  }
0x71: {  	_ =	shalt  }
0x72: {  	_ =	shalt  }
0x73: {  	_ =	shalt  }
0x74: {  	_ =	shalt  }
0x75: {  	_ =	shalt  }
0x76: {  	_ =	shalt  }
0x77: {  	_ =	shalt  }
0x78: {  	_ =	shalt  }
0x79: {  	_ =	shalt  }
0x7a: {  	_ =	shalt  }
0x7b: {  	_ =	shalt  }
0x7c: {  	_ =	shalt  }
0x7d: {  	_ =	shalt  }
0x7e: {  	_ =	shalt  }
0x7f: {  	_ =	shalt  }
0x80: {  	_ =	shalt  }
0x81: {  	_ =	shalt  }
0x82: {  	_ =	shalt  }
0x83: {  	_ =	shalt  }
0x84: {  	_ =	shalt  }
0x85: {  	_ =	shalt  }
0x86: {  	_ =	shalt  }
0x87: {  	_ =	shalt  }
.Lfunc_end0:
.L_simem_size_0:
called_computation_lowered:
.L_overlay_start_0:
0x88: {  	s2 =	sld [smem:$0x3FD9]  }
0x89: {  	s3 =	sld [smem:$0x3FFE];
	_ =	sdelay $0x1  }
0x8a: {  	s1 =	srdreg.scid  }
0x8b: {  	s0 =	sand.u32 $0x1, s1  }
0x8c: {  	s17 =	sshll.u32 s0, $0xA;
	s2 =	sadd.s32 s3, s2  }
0x8d: {  	s2 =	sadd.s32 s2, s17  }
0x8e: {  	[smem:$0x3FBF] =	sst s2  }
0x8f: {  	_ = 	snop  }
0x90: {  	s2 =	sld [smem:$0x3FD0];
	(tm) =	ssettm $0x1  }
0x91: {  	s18 =	sld [smem:$0x3FFB];
	_ =	sdelay $0x3  }
0x92: {  	_ =	strace s18  }
0x93: {  	s3 =	sld [smem:$0x3FFC];
	_ =	sdelay $0x3  }
0x94: {  	_ =	strace s3  }
0x95: {  	s3 =	sld [smem:$0x3FFD];
	_ =	sdelay $0x3  }
0x96: {  	_ =	strace s3  }
0x97: {  	_ =	strace $0x8FFFFFFF  }
0x98: {  	s19 =	sld [smem:$0x3FDB];
	_ =	sdelay $0x1  }
0x99: {  	s4 =	simm.s32 $_scs_section_size  }
0x9a: {  	s5 =	simm.s32 $_size__tile_overlayer_lowered;
	s6 =	simm.s32 $_tile_overlayer_lowered  }
0x9b: {  	s22 =	simm.s32 $0x1BFF;
	s21 =	sshll.u32 s6, $0x1;
	s3 =	sadd.s32 s4, s19  }
0x9c: {  	s7 =	simm.s32 $0x0;
	s20 =	sshll.u32 s5, $0x1;
	s5 =	sadd.s32 s21, s3  }
0x9d: {  	[timem:s7], [sflag:s22] =	dma.local [hbm:s5], s20  }
0x9e: {  	_ =	swait.ge [sflag:s22], s20  }
0x9f: {  	s4 =	ssub.s32 $0x0, s20;
	[sflag:s22] =	ssyncset.done $0x0  }
0xa0: {  	[sflag:s22] =	ssyncadd.s32 s4;
	_ =	sdelay $0x1  }
0xa1: {  	s23 =	simm.s32 $0x1B8B  }
0xa2: {  	_ =	swait.ge [sflag:s23], $0x1  }
0xa3: {  	[sflag:s23] =	ssyncset.done $0x0  }
0xa4: {  	s25 =	simm.s32 $0x1B8E;
	s24 =	sld [smem:$0x3FFE];
	[sflag:s23] =	ssyncadd.s32 $0xFFFFFFFF  }
0xa5: {  	s26 =	simm.s32 $execute0_lowered;
	[smem:$0x3FD2] =	sst s25  }
0xa6: {  	s5 =	sshll.u32 s26, $0x1;
	_ =	strace $0x80000046;
	[dreg:$0x1] =	wrdreg $0xFFFFFFFF  }
0xa7: {  	s28 =	simm.s32 $_size_execute0_lowered;
	s3 =	sadd.s32 s3, s5;
	[dreg:$0x0] =	wrdreg $0x0  }
0xa8: {  	s5 =	sshll.u32 s28, $0x1;
	[dreg:$0x2] =	wrdreg s3  }
0xa9: {  	[dreg:$0x3] =	wrdreg s5  }
0xaa: {  	[dreg:$0x4] =	wrdreg $0xC0  }
0xab: {  	_ =	task [dreg:s7], $0x5FFFF  }
0xac: {  	[dreg:$0x1] =	wrdreg $0xFFFFFFFF  }
0xad: {  	[dreg:$0x0] =	wrdreg $0x60  }
0xae: {  	[dreg:$0x2] =	wrdreg s24  }
0xaf: {  	[dreg:$0x3] =	wrdreg s2  }
0xb0: {  	[dreg:$0x4] =	wrdreg $0x9  }
0xb1: {  	_ =	task.clear_ibuf [dreg:s7], $0x5FFFF;
	_ =	strace $0x90000046  }
0xb2: {  	s29 =	simm.s32 $0x9;
	_ =	strace $0x80000048  }
0xb3: {  	_ =	swait.ge [sflag:s29], $0x1  }
0xb4: {  	[sflag:s29] =	ssyncadd.s32 $0xFFFFFFFF  }
0xb5: {  	_ =	strace $0x90000048  }
0xb6: {  	_ =	sfence  }
0xb7: {  	s30 =	sld [smem:$0x0];
	_ =	sdelay $0x2  }
0xb8: {  	s31 =	sshll.u32 s1, $0xD;
	s1 =	sshrl.u32 s1, $0x2  }
0xb9: {  	s3 =	sand.u32 $0x4000, s31;
	s1 =	sadd.s32 s1, s30  }
0xba: {  	s0 =	sor.u32 s3, s0;
	s1 =	sshll.u32 s1, $0x11  }
0xbb: {  	s0 =	sor.u32 s1, s0  }
0xbc: {  	s0 =	sadd.s32 $0x8F2B, s0  }
0xbd: {  	[sflag:s0] =	ssyncadd.remote.s32 $0x1  }
0xbe: {  	_ =	sfence.sel $0xFFFF  }
0xbf: {  	[dreg:$0x0] =	wrdreg $0xFFFFFFFF;
	(pc) =	sbr.abs _section_cstart, $3  }
0xc0: {  	[dreg:$0x1] =	wrdreg $0xFFFFFFFF  }
0xc1: {  	_ =	task.clear_ibuf [dreg:s7], $0x2FFFF;
	_ =	strace $0x9FFFFFFF  }
0xc2: {  	(tm) =	ssettm $0x7FFFFFFF  }
0xc3: {  	_ =	shalt  }
tec
execute0_lowered:
.L_overlay_start_1:
0x0: {  	(tag) =	ssettag $0x1  }
0x1: {  	s7 =	rddreg [dreg:$0x0]  }
0x2: {  	s2 =	rddreg [dreg:$0x1]  }
0x3: {  	s0 =	rddreg [dreg:$0x2]  }
0x4: {  	s1 =	srdreg.scid;
	_ =	strace $0x80000047;
	s4 =	simm.s32 $0x1  }
0x5: {  	s9 =	simm.s32 $0x3;
	s12 =	simm.s32 $0x0;
	s5 =	sshll.u32 s1, $0x4  }
.Ltmp0:
0x6: {  	s1 =	stileid.u32;
	s5 =	sand.u32 $0x10, s5;
	(pc) =	sbr.rel .LBB2_1-.Ltmp0, $4  }
0x7: {  	s10 =	simm.s32 $0x0;
	s3 =	sadd.s32 $0x1A00, s7;
	s6 =	sor.u32 s1, s5  }
0x8: {  	[sflag:s4] =	ssyncpa.u1 $0x0;
	s5 =	simm.s32 $0x2;
	s6 =	sshll.u32 s6, $0x7  }
0x9: {  	s7 =	sadd.s32 $0xF43E00, s7;
	[sflag:s5] =	ssyncpa.u1 $0x0;
	s8 =	sadd.s32 $0x80, s6  }
0xa: {  	vm0 =	vmmov $0xff;
	vm1 =	vcmask $0x3F20;
	[sflag:s9] =	ssyncpa.u1 $0x0;
	s9 =	simm.s32 $0x80;
	s11 =	smov.u32 s6  }
.LBB2_9:
0xb: {  	p0 =	seq.s32 s10, $0x2  }
.Ltmp1:
0xc: {  	_ = 	snop;
	(pc) =	sbr.rel @p0 .LBB2_11-.Ltmp1, $1  }
0xd: {  	_ =	sdelay $0x3  }
.LBB2_10:
0xe: {  	s12 =	sadd.s32 $0x80, s11  }
0xf: {  	s13 =	smov.u32 s6;
	p0 =	slt.s32 s12, s8  }
0x10: {  	s13 =	smov.u32 @p0 s12  }
0x11: {  	s10 =	sadd.s32 $0x1, s10;
	s12 =	smov.u32 s11;
	s11 =	smov.u32 s13  }
.LBB2_1:
0x12: {  	p0 =	sne.s32 s10, $0x0  }
.Ltmp2:
0x13: {  	_ = 	snop;
	(pc) =	sbr.rel @!p0 .LBB2_2-.Ltmp2, $1  }
0x14: {  	_ =	sdelay $0x3  }
0x15: {  	s13 =	sand.u32 $0x1, s10  }
0x16: {  	p0 =	seq.s32 s13, $0x0  }
.Ltmp3:
0x17: {  	_ = 	snop;
	(pc) =	sbr.rel @p0 .LBB2_9-.Ltmp3, $1  }
0x18: {  	_ =	sdelay $0x3  }
0x19: {  	_ =	swait.ge [sflag:s5], $0x80  }
0x1a: {  	[sflag:s5] =	ssyncset.done $0x0  }
0x1b: {  	s13 =	simm.s32 $0x0;
	[sflag:s5] =	ssyncadd.s32 $0xFFFFFF80  }
0x1c: {  	v0 =	vld.msk [tilespmem:s13+$0x80 ss:$0x1], $0xffff;
	_ =	sdelay $0x4  }
0x1d: {  	vm2 =	vgt.s32 v0, $0x0  }
0x1e: {  	v0 =	vnsel vm2, $0x0, v0  }
0x1f: {  	v0 =	vmin.u32 v0, $0xF423F  }
0x20: {  	v0 =	vshll.u32 v0, $0x4;
	_ =	sdelay $0x3  }
0x21: {  	s13 =	simm.s32 $0x4100  }
0x22: {  	[tilespmem:s13], [sflag:$0x1] =	stream.indirect_vreg.gather [hbm:s3], $0x80, v0, vm0, $0x38;
	[tilespmem:$0x8100] =	vst v63  }
0x23: {  	s14 =	simm.s32 $0x4500;
	s31 =	simm.s32 $0x10  }
0x24: {  	[tilespmem:s14], [sflag:$0x1] =	stream.indirect_vreg.gather [hbm:s3], $0x80, v0, vm1, $0x38;
	[tilespmem:$0x8100] =	vst v63  }
0x25: {  	s14 =	simm.s32 $0x80;
	v0 =	vld.msk [tilespmem:s31+$0x80 ss:$0x1], $0xffff  }
.LBB2_5:
0x26: {  	p0 =	sne.s32 s14, $0x1C0;
	_ =	sdelay $0x4  }
0x27: {  	vm2 =	vgt.s32 v0, $0x0  }
0x28: {  	v0 =	vnsel vm2, $0x0, v0  }
0x29: {  	v0 =	vmin.u32 v0, $0xF423F  }
0x2a: {  	v0 =	vshll.u32 v0, $0x4;
	_ =	sdelay $0x3  }
.Ltmp4:
0x2b: {  	s13 =	sadd.s32 $0x800, s13;
	(pc) =	sbr.rel @p0 .LBB2_5-.Ltmp4, $4  }
0x2c: {  	[tilespmem:s13], [sflag:$0x1] =	stream.indirect_vreg.gather [hbm:s3], $0x80, v0, vm0, $0x38;
	[tilespmem:$0x8100] =	vst v63  }
0x2d: {  	s15 =	sshra.s32 s14, $0x2;
	s16 =	sadd.s32 $0x400, s13  }
0x2e: {  	[tilespmem:s16], [sflag:$0x1] =	stream.indirect_vreg.gather [hbm:s3], $0x80, v0, vm1, $0x38;
	[tilespmem:$0x8100] =	vst v63  }
0x2f: {  	s14 =	sadd.s32 $0x40, s14;
	v0 =	vld.msk [tilespmem:s15+$0x80 ss:$0x1], $0xffff  }
0x30: {  	_ =	sdelay $0x3  }
0x31: {  	vm2 =	vgt.s32 v0, $0x0  }
0x32: {  	v0 =	vnsel vm2, $0x0, v0  }
0x33: {  	v0 =	vmin.u32 v0, $0xF423F  }
0x34: {  	v0 =	vshll.u32 v0, $0x4;
	_ =	sdelay $0x3  }
0x35: {  	s13 =	sadd.s32 $0x800, s13  }
0x36: {  	[tilespmem:s13], [sflag:$0x1] =	stream.indirect_vreg.gather [hbm:s3], $0x80, v0, vm0, $0x38;
	[tilespmem:$0x8100] =	vst v63  }
0x37: {  	s13 =	sadd.s32 $0x400, s13  }
0x38: {  	[tilespmem:s13], [sflag:$0x1] =	stream.indirect_vreg.gather [hbm:s3], $0x80, v0, vm1, $0x38;
	[tilespmem:$0x8100] =	vst v63  }
0x39: {  	s12 =	sshll.u32 s12, $0x4;
	s14 =	simm.s32 $0x80;
	_ =	swait.ge [sflag:s4], $0x4000  }
0x3a: {  	s15 =	simm.s32 $0x4500;
	s12 =	sadd.s32 s12, s7;
	[sflag:s4] =	ssyncset.done $0x0  }
0x3b: {  	s16 =	sadd.s32 $0x0, s12;
	s13 =	simm.s32 $0x4100;
	[sflag:s4] =	ssyncadd.s32 $0xFFFFC000  }
.LBB2_7:
0x3c: {  	[hbm:s16] =	stream.linear.scatter [tilespmem:s13], [sflag:$0x3], $0x400, $0x38;
	[tilespmem:$0x8100] =	vst v63  }
0x3d: {  	s16 =	smov.u32 s14;
	s13 =	smov.u32 s15;
	p0 =	sne.s32 s14, $0x780  }
.Ltmp5:
0x3e: {  	s14 =	sadd.s32 $0x80, s14;
	(pc) =	sbr.rel @p0 .LBB2_7-.Ltmp5, $2  }
0x3f: {  	_ =	sdelay $0x2  }
0x40: {  	s15 =	sadd.s32 $0x400, s15;
	s16 =	sadd.s32 s16, s12  }
.Ltmp6:
0x41: {  	(pc) =	sbr.rel .LBB2_9-.Ltmp6, $2  }
0x42: {  	_ =	sdelay $0x2  }
0x43: {  	[hbm:s16] =	stream.linear.scatter [tilespmem:s13], [sflag:$0x3], $0x400, $0x38;
	[tilespmem:$0x8100] =	vst v63  }
.LBB2_2:
.Ltmp7:
0x44: {  	(pc) =	sbr.rel .LBB2_10-.Ltmp7, $4  }
0x45: {  	_ = 	snop  }
0x46: {  	s12 =	sshrl.u32 s11, $0x3  }
0x47: {  	s13 =	sand.u32 $0x7, s11;
	s12 =	sadd.s32 s2, s12  }
0x48: {  	[tilespmem:s9], [sflag:$0x2] =	stream.linear.gather [hbm4b:s12+s13], $0x80, $0x38;
	[tilespmem:$0x8100] =	vst v63  }
.LBB2_11:
0x49: {  	s2 =	simm.s32 $0x3  }
0x4a: {  	_ =	swait.ge [sflag:s2], $0x4000  }
0x4b: {  	[sflag:s2] =	ssyncset.done $0x0  }
0x4c: {  	[sflag:s2] =	ssyncadd.s32 $0xFFFFC000  }
0x4d: {  	_ =	sfence.sel $0x180000  }
0x4e: {  	s3 =	simm.s32 $0x2;
	[bflag:$0x0] =	sbarrier.arrive $0xFFFF  }
0x4f: {  	[sflag:s3] =	ssyncpa.u1 $0x1  }
0x50: {  	s31 =	simm.s32 $0x1;
	[sflag:s2] =	ssyncpa.u1 $0x1  }
0x51: {  	[sflag:s31] =	ssyncpa.u1 $0x1  }
0x52: {  	p0 =	sne.s32 s1, $0x0;
	_ =	strace $0x90000047  }
0x53: {  	s0 =	sadd.s32 @!p0 $0x100000, s0;
	[bflag:$0x2] =	sbarrier.arrive $0xFFFF  }
0x54: {  	[sflag:s0] =	ssyncadd.tile.s32 @!p0 $0x1;
	_ =	shalt  }
.Lfunc_end2:
_tile_overlayer_lowered:
.L_overlay_start_2:
0x55: {  	(tag) =	ssettag $0x2  }
0x56: {  	s0 =	rddreg [dreg:$0x0];
	s2 =	stileid.u32  }
0x57: {  	s1 =	rddreg [dreg:$0x1];
	p0 =	sne.s32 s2, $0x0  }
0x58: {  	s3 =	rddreg [dreg:$0x2];
	[bflag:$0x3] =	sbarrier.arrive $0xFFFF;
	s2 =	simm.s32 @!p0 $0x1C01  }
0x59: {  	[timem:s3], [sflag:s2] =	dma.local @!p0 [hbm:s0], s1  }
0x5a: {  	s0 =	simm.s32 @!p0 $0x1  }
0x5b: {  	_ =	swait.ge @!p0 [sflag:s0], s1  }
0x5c: {  	s1 =	ssub.s32 @!p0 $0x0, s1;
	[sflag:s0] =	ssyncset.done @!p0 $0x0  }
0x5d: {  	[sflag:s0] =	ssyncadd.s32 @!p0 s1  }
0x5e: {  	[bflag:$0x3] =	sbarrier.arrive $0xFFFF  }
0x5f: {  	_ =	shalt  }

// kernel: kernel.5.cloned.1.call-start
scs
__scs_entry_jumppad:
0x0: {  	(pc) =	sbr.rel $0x88, $3  }
0x1: {  	(tag) =	ssettag $0x0;
	lr =	simm.s32 $0x1  }
0x2: {  	[smem:$0x3F98] =	sst lr;
	_ =	strace $0xD0000000  }
0x3: {  	_ = 	snop  }
0x4: {  	_ = 	snop  }
0x5: {  	_ = 	snop  }
0x6: {  	_ = 	snop  }
0x7: {  	_ = 	snop  }
__scs_overlays_trampoline_lowered:
0x8: {  	[smem:$0x3FA7] =	sst s0  }
0x9: {  	[smem:$0x3FA8] =	sst s1  }
0xa: {  	[smem:$0x3FA9] =	sst s2  }
0xb: {  	[smem:$0x3FAA] =	sst s3  }
0xc: {  	[smem:$0x3FAB] =	sst s4  }
0xd: {  	[smem:$0x3FAC] =	sst s5  }
0xe: {  	[smem:$0x3FAD] =	sst s6  }
0xf: {  	[smem:$0x3FAE] =	sst s7  }
0x10: {  	[smem:$0x3FAF] =	sst s8  }
0x11: {  	[smem:$0x3FB0] =	sst s9;
	s0 =	simm.s32 @!p0 $0x0  }
0x12: {  	s1 =	sld [smem:$0x3F96];
	s0 =	simm.s32 @p0 $0x1  }
0x13: {  	[smem:$0x3FB1] =	sst s0;
	s0 =	simm.s32 @!p1 $0x0  }
0x14: {  	s2 =	sld [smem:$0x3F95];
	s0 =	simm.s32 @p1 $0x1  }
0x15: {  	[smem:$0x3FB2] =	sst s0;
	s0 =	simm.s32 @!p2 $0x0  }
0x16: {  	s3 =	sld [smem:$0x3FDB];
	s0 =	simm.s32 @p2 $0x1  }
0x17: {  	s4 =	simm.s32 $0x1BF5;
	[smem:$0x3FB4] =	sst s0  }
0x18: {  	s0 =	sld [smem:$0x3F97];
	_ =	swait.ge [sflag:s4], $0x0  }
0x19: {  	s7 =	sld [smem:$0x3F98]  }
0x1a: {  	s8 =	sadd.s32 $0xFFFFE003, lr  }
0x1b: {  	s9 =	sadd.s32 $0xFFFFFEF7, lr;
	s5 =	simm.s32 $0xFFFFFFFF;
	p2 =	slt.u32 s8, $0xFFFFF086  }
0x1c: {  	p1 =	slt.u32 s9, $0xF7A;
	s5 =	simm.s32 @!p2 $0x0  }
0x1d: {  	s5 =	simm.s32 @p1 $0x1;
	p0 =	seq.s32 s7, s2  }
0x1e: {  	s7 =	smul.u32 @!p0 $0xF7A, s2;
	p2 =	seq.s32 @!p0 s5, $0x0  }
0x1f: {  	s9 =	smul.u32 $0xF7A, s1;
	s8 =	simm.s32 @!p0 $0x1BF5;
	p2 =	por !p2, p0  }
0x20: {  	[sflag:s8] =	ssyncset.s32 @!p0 $0xFFFFF086;
	s6 =	sadd.s32 @!p0 s3, s7;
	s7 =	simm.s32 @!p0 $0x108  }
0x21: {  	s3 =	sadd.s32 s3, s9;
	s6 =	sadd.s32 @!p0 $0x88, s6;
	s7 =	simm.s32 @p2 $0x1082  }
0x22: {  	[simem:s7], [sflag:s8] =	dma.local @!p0 [hbm:s6], $0xF7A  }
0x23: {  	s9 =	sor.u32 $0xD0000000, s2;
	s6 =	simm.s32 $0x108;
	_ =	swait.ge @!p0 [sflag:s8], $0x0  }
0x24: {  	s3 =	sadd.s32 $0x88, s3;
	s6 =	simm.s32 @!p1 $0x1082;
	[sflag:s4] =	ssyncset.s32 $0xFFFFF086  }
0x25: {  	[simem:s6], [sflag:s4] =	dma.local [hbm:s3], $0xF7A  }
0x26: {  	[smem:$0x3F98] =	sst s1;
	(tag) =	ssettag s2;
	_ =	strace s9  }
0x27: {  	s1 =	sld [smem:$0x3FA8]  }
0x28: {  	s2 =	sld [smem:$0x3FA9]  }
0x29: {  	s4 =	sld [smem:$0x3FAB]  }
0x2a: {  	p0 =	seq.s32 s5, $0x0;
	s5 =	sld [smem:$0x3FAC]  }
0x2b: {  	s6 =	sld [smem:$0x3FAD]  }
0x2c: {  	s7 =	sld [smem:$0x3FAE]  }
0x2d: {  	s3 =	simm.s32 $0x108;
	s8 =	sld [smem:$0x3FAF]  }
0x2e: {  	s3 =	simm.s32 @!p0 $0x1082;
	s9 =	sld [smem:$0x3FB0]  }
0x2f: {  	lr =	sadd.s32 s0, s3;
	s0 =	sld [smem:$0x3FA7]  }
0x30: {  	s3 =	sld [smem:$0x3FAA]  }
0x31: {  	[smem:$0x3FB3] =	sst s10  }
0x32: {  	s10 =	sld [smem:$0x3FB1];
	_ =	sdelay $0x3  }
0x33: {  	p0 =	seq.s32 s10, $0x1;
	s10 =	sld [smem:$0x3FB3];
	_ =	sdelay $0x3  }
0x34: {  	[smem:$0x3FB3] =	sst s10  }
0x35: {  	s10 =	sld [smem:$0x3FB2];
	_ =	sdelay $0x3  }
0x36: {  	p1 =	seq.s32 s10, $0x1;
	s10 =	sld [smem:$0x3FB3];
	_ =	sdelay $0x3  }
0x37: {  	[smem:$0x3FB3] =	sst s10  }
0x38: {  	s10 =	sld [smem:$0x3FB4]  }
0x39: {  	_ = 	snop;
	(pc) =	sbr.ind lr, $3  }
0x3a: {  	_ = 	snop  }
0x3b: {  	_ = 	snop  }
0x3c: {  	p2 =	seq.s32 s10, $0x1;
	s10 =	sld [smem:$0x3FB3]  }
0x3d: {  	_ =	shalt  }
0x3e: {  	_ =	shalt  }
0x3f: {  	_ =	shalt  }
0x40: {  	_ =	shalt  }
0x41: {  	_ =	shalt  }
0x42: {  	_ =	shalt  }
0x43: {  	_ =	shalt  }
0x44: {  	_ =	shalt  }
0x45: {  	_ =	shalt  }
0x46: {  	_ =	shalt  }
0x47: {  	_ =	shalt  }
0x48: {  	_ =	shalt  }
0x49: {  	_ =	shalt  }
0x4a: {  	_ =	shalt  }
0x4b: {  	_ =	shalt  }
0x4c: {  	_ =	shalt  }
0x4d: {  	_ =	shalt  }
0x4e: {  	_ =	shalt  }
0x4f: {  	_ =	shalt  }
0x50: {  	_ =	shalt  }
0x51: {  	_ =	shalt  }
0x52: {  	_ =	shalt  }
0x53: {  	_ =	shalt  }
0x54: {  	_ =	shalt  }
0x55: {  	_ =	shalt  }
0x56: {  	_ =	shalt  }
0x57: {  	_ =	shalt  }
0x58: {  	_ =	shalt  }
0x59: {  	_ =	shalt  }
0x5a: {  	_ =	shalt  }
0x5b: {  	_ =	shalt  }
0x5c: {  	_ =	shalt  }
0x5d: {  	_ =	shalt  }
0x5e: {  	_ =	shalt  }
0x5f: {  	_ =	shalt  }
0x60: {  	_ =	shalt  }
0x61: {  	_ =	shalt  }
0x62: {  	_ =	shalt  }
0x63: {  	_ =	shalt  }
0x64: {  	_ =	shalt  }
0x65: {  	_ =	shalt  }
0x66: {  	_ =	shalt  }
0x67: {  	_ =	shalt  }
0x68: {  	_ =	shalt  }
0x69: {  	_ =	shalt  }
0x6a: {  	_ =	shalt  }
0x6b: {  	_ =	shalt  }
0x6c: {  	_ =	shalt  }
0x6d: {  	_ =	shalt  }
0x6e: {  	_ =	shalt  }
0x6f: {  	_ =	shalt  }
0x70: {  	_ =	shalt  }
0x71: {  	_ =	shalt  }
0x72: {  	_ =	shalt  }
0x73: {  	_ =	shalt  }
0x74: {  	_ =	shalt  }
0x75: {  	_ =	shalt  }
0x76: {  	_ =	shalt  }
0x77: {  	_ =	shalt  }
0x78: {  	_ =	shalt  }
0x79: {  	_ =	shalt  }
0x7a: {  	_ =	shalt  }
0x7b: {  	_ =	shalt  }
0x7c: {  	_ =	shalt  }
0x7d: {  	_ =	shalt  }
0x7e: {  	_ =	shalt  }
0x7f: {  	_ =	shalt  }
0x80: {  	_ =	shalt  }
0x81: {  	_ =	shalt  }
0x82: {  	_ =	shalt  }
0x83: {  	_ =	shalt  }
0x84: {  	_ =	shalt  }
0x85: {  	_ =	shalt  }
0x86: {  	_ =	shalt  }
0x87: {  	_ =	shalt  }
.Lfunc_end0:
.L_simem_size_0:
called_computation.1_lowered:
.L_overlay_start_0:
0x88: {  	s2 =	sld [smem:$0x3FD9]  }
0x89: {  	s3 =	sld [smem:$0x3FFE];
	_ =	sdelay $0x1  }
0x8a: {  	s1 =	srdreg.scid  }
0x8b: {  	s0 =	sand.u32 $0x1, s1  }
0x8c: {  	s17 =	sshll.u32 s0, $0xA;
	s2 =	sadd.s32 s3, s2  }
0x8d: {  	s2 =	sadd.s32 s2, s17  }
0x8e: {  	[smem:$0x3FBF] =	sst s2  }
0x8f: {  	_ = 	snop  }
0x90: {  	s18 =	sld [smem:$0x3FC7];
	(tm) =	ssettm $0x1  }
0x91: {  	s19 =	sld [smem:$0x3FFB];
	_ =	sdelay $0x3  }
0x92: {  	_ =	strace s19  }
0x93: {  	s2 =	sld [smem:$0x3FFC];
	_ =	sdelay $0x3  }
0x94: {  	_ =	strace s2  }
0x95: {  	s2 =	sld [smem:$0x3FFD];
	_ =	sdelay $0x3  }
0x96: {  	_ =	strace s2  }
0x97: {  	_ =	strace $0x8FFFFFFF  }
0x98: {  	s20 =	sld [smem:$0x3FDB];
	_ =	sdelay $0x1  }
0x99: {  	s4 =	simm.s32 $_scs_section_size  }
0x9a: {  	s5 =	simm.s32 $_size__tile_overlayer_lowered;
	s6 =	simm.s32 $_tile_overlayer_lowered  }
0x9b: {  	s7 =	simm.s32 $0x1BFF;
	s21 =	sshll.u32 s6, $0x1;
	s4 =	sadd.s32 s4, s20  }
0x9c: {  	s22 =	simm.s32 $0x0;
	s5 =	sshll.u32 s5, $0x1;
	s6 =	sadd.s32 s21, s4  }
0x9d: {  	[timem:s22], [sflag:s7] =	dma.local [hbm:s6], s5  }
0x9e: {  	_ =	swait.ge [sflag:s7], s5  }
0x9f: {  	s5 =	ssub.s32 $0x0, s5;
	[sflag:s7] =	ssyncset.done $0x0  }
0xa0: {  	[sflag:s7] =	ssyncadd.s32 s5;
	_ =	sdelay $0x1  }
0xa1: {  	s23 =	simm.s32 $0x1B8B  }
0xa2: {  	_ =	swait.ge [sflag:s23], $0x1  }
0xa3: {  	[sflag:s23] =	ssyncset.done $0x0  }
0xa4: {  	[sflag:s23] =	ssyncadd.s32 $0xFFFFFFFF  }
0xa5: {  	s5 =	sld [smem:$0x0]  }
0xa6: {  	s6 =	sand.u32 $0xFFFFFFFE, s1  }
0xa7: {  	p0 =	sne.s32 s1, s6  }
0xa8: {  	s6 =	sshll.u32 @p0 s6, $0xE  }
0xa9: {  	s6 =	sadd.s32 @p0 $0x11B8D, s6;
	s7 =	sshll.u32 @p0 s5, $0x11  }
0xaa: {  	s6 =	sor.u32 @p0 s7, s6  }
0xab: {  	[sflag:s6] =	ssyncadd.remote.s32 @p0 $0x1;
	_ =	sdelay $0x1  }
0xac: {  	s6 =	simm.s32 @p0 $0x1B8D  }
0xad: {  	_ =	swait.eq @p0 [sflag:s6], $0x1  }
0xae: {  	[sflag:s6] =	ssyncadd.s32 @p0 $0xFFFFFFFF  }
0xaf: {  	s7 =	sshll.u32 @!p0 s1, $0xE  }
0xb0: {  	s7 =	sor.u32 @!p0 $0x4000, s7;
	s6 =	simm.s32 @!p0 $0x1B8D  }
0xb1: {  	s5 =	sshll.u32 @!p0 s5, $0x11;
	s7 =	sadd.s32 @!p0 $0x11B8D, s7;
	_ =	swait.eq @!p0 [sflag:s6], $0x1  }
0xb2: {  	s5 =	sor.u32 @!p0 s5, s7;
	[sflag:s6] =	ssyncadd.s32 @!p0 $0xFFFFFFFF  }
0xb3: {  	s25 =	simm.s32 $0x1B8E;
	s24 =	sld [smem:$0x3FFE];
	[sflag:s5] =	ssyncadd.remote.s32 @!p0 $0x1  }
0xb4: {  	s26 =	simm.s32 $execute0_lowered;
	[smem:$0x3FD2] =	sst s25  }
0xb5: {  	s6 =	sshll.u32 s26, $0x1;
	_ =	strace $0x80000049;
	[dreg:$0x1] =	wrdreg $0xFFFFFFFF  }
0xb6: {  	s28 =	simm.s32 $_size_execute0_lowered;
	s4 =	sadd.s32 s4, s6;
	[dreg:$0x0] =	wrdreg $0x0  }
0xb7: {  	s6 =	sshll.u32 s28, $0x1;
	[dreg:$0x2] =	wrdreg s4  }
0xb8: {  	[dreg:$0x3] =	wrdreg s6  }
0xb9: {  	[dreg:$0x4] =	wrdreg $0xC0  }
0xba: {  	_ =	task [dreg:s22], $0x5FFFF  }
0xbb: {  	[dreg:$0x1] =	wrdreg $0xFFFFFFFF  }
0xbc: {  	[dreg:$0x0] =	wrdreg $0x60  }
0xbd: {  	[dreg:$0x2] =	wrdreg s24  }
0xbe: {  	[dreg:$0x3] =	wrdreg s18  }
0xbf: {  	[dreg:$0x4] =	wrdreg $0xA  }
0xc0: {  	_ =	task.clear_ibuf [dreg:s22], $0x5FFFF;
	_ =	strace $0x90000049  }
0xc1: {  	s29 =	simm.s32 $0xA;
	_ =	strace $0x8000004B  }
0xc2: {  	_ =	swait.ge [sflag:s29], $0x1  }
0xc3: {  	[sflag:s29] =	ssyncadd.s32 $0xFFFFFFFF  }
0xc4: {  	_ =	strace $0x9000004B  }
0xc5: {  	_ =	sfence  }
0xc6: {  	s30 =	sld [smem:$0x0];
	_ =	sdelay $0x2  }
0xc7: {  	s31 =	sshll.u32 s1, $0xD;
	s1 =	sshrl.u32 s1, $0x2  }
0xc8: {  	s4 =	sand.u32 $0x4000, s31;
	s1 =	sadd.s32 s1, s30  }
0xc9: {  	s0 =	sor.u32 s4, s0;
	s1 =	sshll.u32 s1, $0x11  }
0xca: {  	s0 =	sor.u32 s1, s0  }
0xcb: {  	s0 =	sadd.s32 $0x8F2B, s0  }
0xcc: {  	[sflag:s0] =	ssyncadd.remote.s32 $0x1  }
0xcd: {  	_ =	sfence.sel $0xFFFF  }
0xce: {  	[dreg:$0x0] =	wrdreg $0xFFFFFFFF;
	(pc) =	sbr.abs _section_cstart, $3  }
0xcf: {  	[dreg:$0x1] =	wrdreg $0xFFFFFFFF  }
0xd0: {  	_ =	task.clear_ibuf [dreg:s22], $0x2FFFF;
	_ =	strace $0x9FFFFFFF  }
0xd1: {  	(tm) =	ssettm $0x7FFFFFFF  }
tec
execute0_lowered:
.L_overlay_start_1:
0x0: {  	(tag) =	ssettag $0x1  }
0x1: {  	s0 =	srdreg.scid  }
0x2: {  	s2 =	stileid.u32;
	s1 =	rddreg [dreg:$0x0]  }
0x3: {  	s5 =	rddreg [dreg:$0x1];
	s9 =	simm.s32 $0x6;
	s10 =	simm.s32 $0x16C00  }
0x4: {  	s11 =	simm.s32 $0x80;
	s14 =	simm.s32 $0x48;
	s22 =	simm.s32 $0x210  }
0x5: {  	s23 =	simm.s32 $0xE800;
	s24 =	simm.s32 $0x258;
	s25 =	simm.s32 $0xFA00  }
0x6: {  	s28 =	simm.s32 $0x11A00;
	s29 =	simm.s32 $0x1;
	s30 =	simm.s32 $0x2  }
0x7: {  	s31 =	simm.s32 $0x3;
	s12 =	simm.s32 $0x12C00;
	s13 =	simm.s32 $0x14C00  }
0x8: {  	s15 =	simm.s32 $0x0;
	s0 =	sand.u32 $0x1, s0;
	s2 =	sshll.u32 s2, $0x1  }
0x9: {  	s4 =	sor.u32 s0, s2;
	s2 =	simm.s32 $0x0;
	s0 =	ssub.s32 $0x2, s0  }
0xa: {  	s3 =	smul.u32 $0xC80, s4;
	[smem:$0x7FF] =	sst s2;
	s7 =	sshll.u32 s4, $0xA  }
0xb: {  	s26 =	sshrl.u32 s0, $0x1;
	s8 =	sshll.u32 s4, $0x4;
	_ =	strace $0x8000004A  }
0xc: {  	s0 =	ssub.s32 s0, s26;
	s5 =	sadd.s32 s5, s8;
	s26 =	simm.s32 $0x2D8  }
0xd: {  	s6 =	sadd.s32 s3, s1;
	s3 =	sadd.s32 $0xF6CE00, s1;
	s1 =	sadd.s32 s7, s1  }
0xe: {  	s8 =	smax.u32 s0, $0x1;
	s0 =	simm.s32 $0x5;
	s4 =	sadd.s32 $0xF53E00, s6  }
0xf: {  	s6 =	sadd.s32 $0x1EBCE00, s1;
	s7 =	sadd.s32 $0x1EC4E00, s1;
	s1 =	simm.s32 $0x4  }
.LBB2_1:
0x10: {  	[tilespmem:s2], [sflag:$0x6] =	stream.linear.gather [hbm4b:s4+s2], $0x6400, $0x38;
	[tilespmem:$0x18C80] =	vst v63  }
0x11: {  	_ =	swait.ge [sflag:s9], $0x6400  }
0x12: {  	[sflag:s9] =	ssyncset.done $0x0  }
0x13: {  	[sflag:s9] =	ssyncadd.s32 $0xFFFF9C00  }
0x14: {  	[tilespmem:s10], [sflag:$0x6] =	stream.linear.gather [hbm4b:s5+s2], $0x80, $0x38;
	[tilespmem:$0x18C80] =	vst v63  }
0x15: {  	_ =	swait.ge [sflag:s9], $0x80  }
0x16: {  	[sflag:s9] =	ssyncset.done $0x0  }
0x17: {  	s16 =	simm.s32 $0x0;
	s17 =	simm.s32 $0x40;
	[sflag:s9] =	ssyncadd.s32 $0xFFFFFF80  }
.LBB2_2:
0x18: {  	p0 =	sne.s32 s17, $0x18FC0;
	v0 =	vld [tilespmem:s16+$0x0];
	_ =	sdelay $0x1  }
.Ltmp0:
0x19: {  	(pc) =	sbr.rel @p0 .LBB2_2-.Ltmp0, $3  }
0x1a: {  	_ =	sdelay $0x1  }
0x1b: {  	v0 =	vshll.u32 v0, $0x1  }
0x1c: {  	[tilespmem:s16+$0x0] =	vst v0;
	s16 =	sshra.s32 s17, $0x2;
	s17 =	sadd.s32 $0x40, s17  }
0x1d: {  	v0 =	vld [tilespmem:s16+$0x0];
	_ =	sdelay $0x4  }
0x1e: {  	v0 =	vshll.u32 v0, $0x1  }
0x1f: {  	[tilespmem:s16+$0x0] =	vst v0  }
0x20: {  	v0 =	vld [tilespmem:$0x16C00]  }
0x21: {  	v1 =	vld [tilespmem:$0x16C10]  }
0x22: {  	v2 =	vld [tilespmem:$0x16C20]  }
0x23: {  	v3 =	vld [tilespmem:$0x16C30]  }
0x24: {  	v4 =	vld [tilespmem:$0x16C40]  }
0x25: {  	v5 =	vld [tilespmem:$0x16C50];
	v0 =	vshll.u32 v0, $0x1  }
0x26: {  	v56 =	vld [tilespmem:$0x16C60];
	v55 =	vshll.u32 v1, $0x1;
	[tilespmem:$0x16C00] =	vst v0  }
0x27: {  	v58 =	vld [tilespmem:$0x16C70];
	v57 =	vshll.u32 v2, $0x1;
	[tilespmem:$0x16C10] =	vst v55  }
0x28: {  	v59 =	vshll.u32 v3, $0x1;
	[tilespmem:$0x16C20] =	vst v57  }
0x29: {  	v60 =	vshll.u32 v4, $0x1;
	[tilespmem:$0x16C30] =	vst v59  }
0x2a: {  	v61 =	vshll.u32 v5, $0x1;
	[tilespmem:$0x16C40] =	vst v60  }
0x2b: {  	v62 =	vshll.u32 v56, $0x1;
	[tilespmem:$0x16C50] =	vst v61  }
0x2c: {  	v63 =	vshll.u32 v58, $0x1;
	[tilespmem:$0x16C60] =	vst v62  }
0x2d: {  	s19 =	simm.s32 $0x16C80;
	[tilespmem:$0x16C70] =	vst v63  }
0x2e: {  	[tilespmem:s19], [sflag:$0x5] =	stream.indirect.gather [hbm4b:s3+s11], $0x40, s10, s11, $0xb8;
	[tilespmem:$0x18C80] =	vst v63  }
0x2f: {  	s17 =	simm.s32 $0x6400;
	s16 =	simm.s32 $0x0  }
0x30: {  	[tilespmem:s17], [sflag:$0x1] =	stream.indirect.gather [hbm4b:s3+s11], $0x40, s16, s11, $0xb8;
	[tilespmem:$0x18C80] =	vst v63  }
0x31: {  	s20 =	simm.s32 $0x8400  }
0x32: {  	[tilespmem:s20], [sflag:$0x1] =	stream.indirect.gather [hbm4b:s3+s14], $0x40, s11, s14, $0xb8;
	[tilespmem:$0x18C80] =	vst v63  }
0x33: {  	s21 =	simm.s32 $0xC8;
	s18 =	simm.s32 $0x9600  }
0x34: {  	[tilespmem:s18], [sflag:$0x2] =	stream.indirect.gather [hbm4b:s3+s11], $0x40, s21, s11, $0xb8;
	[tilespmem:$0x18C80] =	vst v63  }
0x35: {  	s19 =	simm.s32 $0xB600;
	s18 =	simm.s32 $0x148  }
0x36: {  	[tilespmem:s19], [sflag:$0x2] =	stream.indirect.gather [hbm4b:s3+s14], $0x40, s18, s14, $0xb8;
	[tilespmem:$0x18C80] =	vst v63  }
0x37: {  	s20 =	simm.s32 $0x190;
	s21 =	simm.s32 $0xC800  }
0x38: {  	[tilespmem:s21], [sflag:$0x3] =	stream.indirect.gather [hbm4b:s3+s11], $0x40, s20, s11, $0xb8;
	[tilespmem:$0x18C80] =	vst v63  }
0x39: {  	_ = 	snop  }
0x3a: {  	[tilespmem:s23], [sflag:$0x3] =	stream.indirect.gather [hbm4b:s3+s14], $0x40, s22, s14, $0xb8;
	[tilespmem:$0x18C80] =	vst v63  }
0x3b: {  	_ = 	snop  }
0x3c: {  	[tilespmem:s25], [sflag:$0x4] =	stream.indirect.gather [hbm4b:s3+s11], $0x40, s24, s11, $0xb8;
	[tilespmem:$0x18C80] =	vst v63  }
0x3d: {  	_ = 	snop  }
0x3e: {  	[tilespmem:s28], [sflag:$0x4] =	stream.indirect.gather [hbm4b:s3+s14], $0x40, s26, s14, $0xb8;
	[tilespmem:$0x18C80] =	vst v63  }
.LBB2_4:
0x3f: {  	_ =	swait.ge [sflag:s29], $0x2000  }
0x40: {  	[sflag:s29] =	ssyncset.done $0x0  }
0x41: {  	[sflag:s29] =	ssyncadd.s32 $0xFFFFE000  }
0x42: {  	_ =	swait.ge [sflag:s29], $0x1200  }
0x43: {  	[sflag:s29] =	ssyncset.done $0x0  }
0x44: {  	s17 =	simm.s32 $0x0;
	[sflag:s29] =	ssyncadd.s32 $0xFFFFEE00  }
0x45: {  	v0 =	vld [tilespmem:s17+$0x64C0]  }
0x46: {  	v1 =	vld [tilespmem:s17+$0x64D0]  }
0x47: {  	v2 =	vld [tilespmem:s17+$0x6480]  }
0x48: {  	v3 =	vld [tilespmem:s17+$0x6490]  }
0x49: {  	v4 =	vld [tilespmem:s17+$0x6440]  }
0x4a: {  	v5 =	vld [tilespmem:s17+$0x6450]  }
0x4b: {  	v10 =	vld [tilespmem:s17+$0x6400]  }
0x4c: {  	v6 =	vimm.f32 $0.0e+00;
	v12 =	vld [tilespmem:s17+$0x6410]  }
0x4d: {  	s18 =	simm.s32 $0x400;
	v9 =	vimm.f32 $0.0e+00;
	v8 =	vimm.f32 $0.0e+00;
	v7 =	vimm.f32 $0.0e+00;
	v11 =	vld [tilespmem:s17+$0x6420]  }
.LBB2_5:
0x4e: {  	p0 =	sne.s32 s18, $0xC400;
	v13 =	vld [tilespmem:s17+$0x6430]  }
0x4f: {  	v14 =	vld [tilespmem:s17+$0x6460]  }
0x50: {  	v15 =	vld [tilespmem:s17+$0x6470]  }
0x51: {  	v16 =	vld [tilespmem:s17+$0x64A0]  }
0x52: {  	v6 =	vadd.f32 v10, v6;
	v9 =	vadd.f32 v12, v9;
	v10 =	vld [tilespmem:s17+$0x64B0]  }
0x53: {  	v8 =	vadd.f32 v11, v8;
	v7 =	vadd.f32 v13, v7;
	v11 =	vld [tilespmem:s17+$0x64E0]  }
0x54: {  	v4 =	vadd.f32 v4, v6;
	v5 =	vadd.f32 v5, v9;
	v12 =	vld [tilespmem:s17+$0x64F0];
	s17 =	sshra.s32 s18, $0x2  }
0x55: {  	v6 =	vadd.f32 v14, v8;
	v13 =	vld [tilespmem:s17+$0x64C0];
	v7 =	vadd.f32 v15, v7  }
0x56: {  	v4 =	vadd.f32 v2, v4;
	v5 =	vadd.f32 v3, v5;
	v14 =	vld [tilespmem:s17+$0x64D0]  }
0x57: {  	v8 =	vadd.f32 v16, v6;
	v2 =	vld [tilespmem:s17+$0x6480];
	v7 =	vadd.f32 v10, v7  }
0x58: {  	v6 =	vadd.f32 v0, v4;
	v9 =	vadd.f32 v1, v5;
	v3 =	vld [tilespmem:s17+$0x6490]  }
.Ltmp1:
0x59: {  	v8 =	vadd.f32 v11, v8;
	v4 =	vld [tilespmem:s17+$0x6440];
	v7 =	vadd.f32 v12, v7;
	(pc) =	sbr.rel @p0 .LBB2_5-.Ltmp1, $4  }
0x5a: {  	v5 =	vld [tilespmem:s17+$0x6450];
	v0 =	vmov v13  }
0x5b: {  	v10 =	vld [tilespmem:s17+$0x6400];
	v1 =	vmov v14  }
0x5c: {  	v12 =	vld [tilespmem:s17+$0x6410]  }
0x5d: {  	s18 =	sadd.s32 $0x400, s18;
	v11 =	vld [tilespmem:s17+$0x6420]  }
0x5e: {  	v13 =	vld [tilespmem:s17+$0x6430]  }
0x5f: {  	v14 =	vld [tilespmem:s17+$0x6460]  }
0x60: {  	v15 =	vld [tilespmem:s17+$0x6470];
	v6 =	vadd.f32 v10, v6  }
0x61: {  	v10 =	vld [tilespmem:s17+$0x64A0];
	v9 =	vadd.f32 v12, v9  }
0x62: {  	v12 =	vld [tilespmem:s17+$0x64B0];
	v8 =	vadd.f32 v11, v8;
	v4 =	vadd.f32 v4, v6  }
0x63: {  	v6 =	vadd.f32 v13, v7;
	v7 =	vld [tilespmem:s17+$0x64E0];
	v5 =	vadd.f32 v5, v9  }
0x64: {  	v9 =	vld [tilespmem:s17+$0x64F0];
	v8 =	vadd.f32 v14, v8;
	v2 =	vadd.f32 v2, v4  }
0x65: {  	v4 =	vadd.f32 v15, v6;
	v3 =	vadd.f32 v3, v5  }
0x66: {  	v5 =	vadd.f32 v10, v8;
	v0 =	vadd.f32 v0, v2  }
0x67: {  	v2 =	vadd.f32 v12, v4;
	v1 =	vadd.f32 v1, v3  }
0x68: {  	s21 =	sshll.u32 s16, $0x8;
	v3 =	vadd.f32 v7, v5;
	v0 =	vmul.f32 $4.999999890e-03, v0  }
0x69: {  	p0 =	seq.s32 s16, $0x1F;
	s17 =	sand.u32 $0x3FFFFF00, s21;
	v2 =	vadd.f32 v9, v2;
	v1 =	vmul.f32 $4.999999890e-03, v1  }
0x6a: {  	s18 =	smul.u32 @!p0 $0xC80, s16;
	[tilespmem:s17+$0x12C00] =	vst v0;
	v0 =	vmul.f32 $4.999999890e-03, v3  }
0x6b: {  	[tilespmem:s17+$0x12C10] =	vst v1;
	v1 =	vmul.f32 $4.999999890e-03, v2  }
0x6c: {  	s18 =	sshra.s32 @!p0 s18, $0x2;
	[tilespmem:s17+$0x12C20] =	vst v0  }
0x6d: {  	s20 =	simm.s32 @!p0 $0x80;
	s19 =	sadd.s32 @!p0 $0x320, s18;
	s21 =	simm.s32 @!p0 $0x6400;
	[tilespmem:s17+$0x12C30] =	vst v1  }
0x6e: {  	[tilespmem:s21], [sflag:$0x1] =	stream.indirect.gather @!p0 [hbm4b:s3+s20], $0x40, s19, s20, $0xb8;
	[tilespmem:$0x18C80] =	vst v63  }
0x6f: {  	s19 =	sadd.s32 @!p0 $0x3A0, s18;
	s20 =	simm.s32 @!p0 $0x48;
	s21 =	simm.s32 @!p0 $0x8400  }
0x70: {  	[tilespmem:s21], [sflag:$0x1] =	stream.indirect.gather @!p0 [hbm4b:s3+s20], $0x40, s19, s20, $0xb8;
	[tilespmem:$0x18C80] =	vst v63  }
0x71: {  	_ =	swait.ge [sflag:s30], $0x2000  }
0x72: {  	[sflag:s30] =	ssyncset.done $0x0  }
0x73: {  	[sflag:s30] =	ssyncadd.s32 $0xFFFFE000  }
0x74: {  	_ =	swait.ge [sflag:s30], $0x1200  }
0x75: {  	[sflag:s30] =	ssyncset.done $0x0  }
0x76: {  	s19 =	simm.s32 $0x0;
	[sflag:s30] =	ssyncadd.s32 $0xFFFFEE00  }
0x77: {  	v0 =	vld [tilespmem:s19+$0x96C0]  }
0x78: {  	v1 =	vld [tilespmem:s19+$0x96D0]  }
0x79: {  	v2 =	vld [tilespmem:s19+$0x9680]  }
0x7a: {  	v3 =	vld [tilespmem:s19+$0x9690]  }
0x7b: {  	v4 =	vld [tilespmem:s19+$0x9640]  }
0x7c: {  	v5 =	vld [tilespmem:s19+$0x9650]  }
0x7d: {  	v10 =	vld [tilespmem:s19+$0x9600]  }
0x7e: {  	v6 =	vimm.f32 $0.0e+00;
	v12 =	vld [tilespmem:s19+$0x9610]  }
0x7f: {  	v8 =	vimm.f32 $0.0e+00;
	v7 =	vimm.f32 $0.0e+00;
	v9 =	vimm.f32 $0.0e+00;
	s20 =	simm.s32 $0x400;
	v11 =	vld [tilespmem:s19+$0x9620]  }
.LBB2_7:
0x80: {  	p1 =	sne.s32 s20, $0xC400;
	v13 =	vld [tilespmem:s19+$0x9630]  }
0x81: {  	v14 =	vld [tilespmem:s19+$0x9660]  }
0x82: {  	v15 =	vld [tilespmem:s19+$0x9670]  }
0x83: {  	v16 =	vld [tilespmem:s19+$0x96A0]  }
0x84: {  	v6 =	vadd.f32 v10, v6;
	v9 =	vadd.f32 v12, v9;
	v10 =	vld [tilespmem:s19+$0x96B0]  }
0x85: {  	v8 =	vadd.f32 v11, v8;
	v7 =	vadd.f32 v13, v7;
	v11 =	vld [tilespmem:s19+$0x96E0]  }
0x86: {  	v4 =	vadd.f32 v4, v6;
	v5 =	vadd.f32 v5, v9;
	v12 =	vld [tilespmem:s19+$0x96F0];
	s19 =	sshra.s32 s20, $0x2  }
0x87: {  	v6 =	vadd.f32 v14, v8;
	v13 =	vld [tilespmem:s19+$0x96C0];
	v7 =	vadd.f32 v15, v7  }
0x88: {  	v4 =	vadd.f32 v2, v4;
	v5 =	vadd.f32 v3, v5;
	v14 =	vld [tilespmem:s19+$0x96D0]  }
0x89: {  	v8 =	vadd.f32 v16, v6;
	v2 =	vld [tilespmem:s19+$0x9680];
	v7 =	vadd.f32 v10, v7  }
0x8a: {  	v6 =	vadd.f32 v0, v4;
	v9 =	vadd.f32 v1, v5;
	v3 =	vld [tilespmem:s19+$0x9690]  }
.Ltmp2:
0x8b: {  	v8 =	vadd.f32 v11, v8;
	v4 =	vld [tilespmem:s19+$0x9640];
	v7 =	vadd.f32 v12, v7;
	(pc) =	sbr.rel @p1 .LBB2_7-.Ltmp2, $4  }
0x8c: {  	v5 =	vld [tilespmem:s19+$0x9650];
	v0 =	vmov v13  }
0x8d: {  	v10 =	vld [tilespmem:s19+$0x9600];
	v1 =	vmov v14  }
0x8e: {  	v12 =	vld [tilespmem:s19+$0x9610]  }
0x8f: {  	s20 =	sadd.s32 $0x400, s20;
	v11 =	vld [tilespmem:s19+$0x9620]  }
0x90: {  	v13 =	vld [tilespmem:s19+$0x9630]  }
0x91: {  	v14 =	vld [tilespmem:s19+$0x9660]  }
0x92: {  	v15 =	vld [tilespmem:s19+$0x9670];
	v6 =	vadd.f32 v10, v6  }
0x93: {  	v10 =	vld [tilespmem:s19+$0x96A0];
	v9 =	vadd.f32 v12, v9  }
0x94: {  	v12 =	vld [tilespmem:s19+$0x96B0];
	v8 =	vadd.f32 v11, v8;
	v4 =	vadd.f32 v4, v6  }
0x95: {  	v6 =	vadd.f32 v13, v7;
	v7 =	vld [tilespmem:s19+$0x96E0];
	v5 =	vadd.f32 v5, v9  }
0x96: {  	v9 =	vld [tilespmem:s19+$0x96F0];
	v8 =	vadd.f32 v14, v8;
	v2 =	vadd.f32 v2, v4  }
0x97: {  	v4 =	vadd.f32 v15, v6;
	v3 =	vadd.f32 v3, v5  }
0x98: {  	v5 =	vadd.f32 v10, v8;
	v0 =	vadd.f32 v0, v2  }
0x99: {  	v2 =	vadd.f32 v12, v4;
	v1 =	vadd.f32 v1, v3  }
0x9a: {  	v3 =	vadd.f32 v7, v5;
	v0 =	vmul.f32 $4.999999890e-03, v0  }
0x9b: {  	v2 =	vadd.f32 v9, v2;
	v1 =	vmul.f32 $4.999999890e-03, v1  }
0x9c: {  	[tilespmem:s17+$0x12C40] =	vst v0;
	v0 =	vmul.f32 $4.999999890e-03, v3  }
0x9d: {  	[tilespmem:s17+$0x12C50] =	vst v1;
	v1 =	vmul.f32 $4.999999890e-03, v2  }
0x9e: {  	[tilespmem:s17+$0x12C60] =	vst v0  }
0x9f: {  	s20 =	simm.s32 @!p0 $0x80;
	s21 =	simm.s32 @!p0 $0x9600;
	s19 =	sadd.s32 @!p0 $0x3E8, s18;
	[tilespmem:s17+$0x12C70] =	vst v1  }
0xa0: {  	[tilespmem:s21], [sflag:$0x2] =	stream.indirect.gather @!p0 [hbm4b:s3+s20], $0x40, s19, s20, $0xb8;
	[tilespmem:$0x18C80] =	vst v63  }
0xa1: {  	s19 =	sadd.s32 @!p0 $0x468, s18;
	s20 =	simm.s32 @!p0 $0x48;
	s21 =	simm.s32 @!p0 $0xB600  }
0xa2: {  	[tilespmem:s21], [sflag:$0x2] =	stream.indirect.gather @!p0 [hbm4b:s3+s20], $0x40, s19, s20, $0xb8;
	[tilespmem:$0x18C80] =	vst v63  }
0xa3: {  	_ =	swait.ge [sflag:s31], $0x2000  }
0xa4: {  	[sflag:s31] =	ssyncset.done $0x0  }
0xa5: {  	[sflag:s31] =	ssyncadd.s32 $0xFFFFE000  }
0xa6: {  	_ =	swait.ge [sflag:s31], $0x1200  }
0xa7: {  	[sflag:s31] =	ssyncset.done $0x0  }
0xa8: {  	s19 =	simm.s32 $0x0;
	[sflag:s31] =	ssyncadd.s32 $0xFFFFEE00  }
0xa9: {  	v0 =	vld [tilespmem:s19+$0xC8C0]  }
0xaa: {  	v1 =	vld [tilespmem:s19+$0xC8D0]  }
0xab: {  	v2 =	vld [tilespmem:s19+$0xC880]  }
0xac: {  	v3 =	vld [tilespmem:s19+$0xC890]  }
0xad: {  	v4 =	vld [tilespmem:s19+$0xC840]  }
0xae: {  	v5 =	vld [tilespmem:s19+$0xC850]  }
0xaf: {  	v10 =	vld [tilespmem:s19+$0xC800]  }
0xb0: {  	v6 =	vimm.f32 $0.0e+00;
	v12 =	vld [tilespmem:s19+$0xC810]  }
0xb1: {  	v8 =	vimm.f32 $0.0e+00;
	v7 =	vimm.f32 $0.0e+00;
	v9 =	vimm.f32 $0.0e+00;
	s20 =	simm.s32 $0x400;
	v11 =	vld [tilespmem:s19+$0xC820]  }
.LBB2_9:
0xb2: {  	p1 =	sne.s32 s20, $0xC400;
	v13 =	vld [tilespmem:s19+$0xC830]  }
0xb3: {  	v14 =	vld [tilespmem:s19+$0xC860]  }
0xb4: {  	v15 =	vld [tilespmem:s19+$0xC870]  }
0xb5: {  	v16 =	vld [tilespmem:s19+$0xC8A0]  }
0xb6: {  	v6 =	vadd.f32 v10, v6;
	v9 =	vadd.f32 v12, v9;
	v10 =	vld [tilespmem:s19+$0xC8B0]  }
0xb7: {  	v8 =	vadd.f32 v11, v8;
	v7 =	vadd.f32 v13, v7;
	v11 =	vld [tilespmem:s19+$0xC8E0]  }
0xb8: {  	v4 =	vadd.f32 v4, v6;
	v5 =	vadd.f32 v5, v9;
	v12 =	vld [tilespmem:s19+$0xC8F0];
	s19 =	sshra.s32 s20, $0x2  }
0xb9: {  	v6 =	vadd.f32 v14, v8;
	v13 =	vld [tilespmem:s19+$0xC8C0];
	v7 =	vadd.f32 v15, v7  }
0xba: {  	v4 =	vadd.f32 v2, v4;
	v5 =	vadd.f32 v3, v5;
	v14 =	vld [tilespmem:s19+$0xC8D0]  }
0xbb: {  	v8 =	vadd.f32 v16, v6;
	v2 =	vld [tilespmem:s19+$0xC880];
	v7 =	vadd.f32 v10, v7  }
0xbc: {  	v6 =	vadd.f32 v0, v4;
	v9 =	vadd.f32 v1, v5;
	v3 =	vld [tilespmem:s19+$0xC890]  }
.Ltmp3:
0xbd: {  	v8 =	vadd.f32 v11, v8;
	v4 =	vld [tilespmem:s19+$0xC840];
	v7 =	vadd.f32 v12, v7;
	(pc) =	sbr.rel @p1 .LBB2_9-.Ltmp3, $4  }
0xbe: {  	v5 =	vld [tilespmem:s19+$0xC850];
	v0 =	vmov v13  }
0xbf: {  	v10 =	vld [tilespmem:s19+$0xC800];
	v1 =	vmov v14  }
0xc0: {  	v12 =	vld [tilespmem:s19+$0xC810]  }
0xc1: {  	s20 =	sadd.s32 $0x400, s20;
	v11 =	vld [tilespmem:s19+$0xC820]  }
0xc2: {  	v13 =	vld [tilespmem:s19+$0xC830]  }
0xc3: {  	v14 =	vld [tilespmem:s19+$0xC860]  }
0xc4: {  	v15 =	vld [tilespmem:s19+$0xC870];
	v6 =	vadd.f32 v10, v6  }
0xc5: {  	v10 =	vld [tilespmem:s19+$0xC8A0];
	v9 =	vadd.f32 v12, v9  }
0xc6: {  	v12 =	vld [tilespmem:s19+$0xC8B0];
	v8 =	vadd.f32 v11, v8;
	v4 =	vadd.f32 v4, v6  }
0xc7: {  	v6 =	vadd.f32 v13, v7;
	v7 =	vld [tilespmem:s19+$0xC8E0];
	v5 =	vadd.f32 v5, v9  }
0xc8: {  	v9 =	vld [tilespmem:s19+$0xC8F0];
	v8 =	vadd.f32 v14, v8;
	v2 =	vadd.f32 v2, v4  }
0xc9: {  	v4 =	vadd.f32 v15, v6;
	v3 =	vadd.f32 v3, v5  }
0xca: {  	v5 =	vadd.f32 v10, v8;
	v0 =	vadd.f32 v0, v2  }
0xcb: {  	v2 =	vadd.f32 v12, v4;
	v1 =	vadd.f32 v1, v3  }
0xcc: {  	v3 =	vadd.f32 v7, v5;
	v0 =	vmul.f32 $4.999999890e-03, v0  }
0xcd: {  	v2 =	vadd.f32 v9, v2;
	v1 =	vmul.f32 $4.999999890e-03, v1  }
0xce: {  	[tilespmem:s17+$0x12C80] =	vst v0;
	v0 =	vmul.f32 $4.999999890e-03, v3  }
0xcf: {  	[tilespmem:s17+$0x12C90] =	vst v1;
	v1 =	vmul.f32 $4.999999890e-03, v2  }
0xd0: {  	[tilespmem:s17+$0x12CA0] =	vst v0  }
0xd1: {  	s20 =	simm.s32 @!p0 $0x80;
	s21 =	simm.s32 @!p0 $0xC800;
	s19 =	sadd.s32 @!p0 $0x4B0, s18;
	[tilespmem:s17+$0x12CB0] =	vst v1  }
0xd2: {  	[tilespmem:s21], [sflag:$0x3] =	stream.indirect.gather @!p0 [hbm4b:s3+s20], $0x40, s19, s20, $0xb8;
	[tilespmem:$0x18C80] =	vst v63  }
0xd3: {  	s18 =	sadd.s32 @!p0 $0x530, s18;
	s19 =	simm.s32 @!p0 $0x48;
	s20 =	simm.s32 @!p0 $0xE800  }
0xd4: {  	[tilespmem:s20], [sflag:$0x3] =	stream.indirect.gather @!p0 [hbm4b:s3+s19], $0x40, s18, s19, $0xb8;
	[tilespmem:$0x18C80] =	vst v63  }
0xd5: {  	_ =	swait.ge [sflag:s1], $0x2000  }
0xd6: {  	[sflag:s1] =	ssyncset.done $0x0  }
0xd7: {  	[sflag:s1] =	ssyncadd.s32 $0xFFFFE000  }
0xd8: {  	_ =	swait.ge [sflag:s1], $0x1200  }
0xd9: {  	[sflag:s1] =	ssyncset.done $0x0  }
0xda: {  	s18 =	simm.s32 $0x0;
	[sflag:s1] =	ssyncadd.s32 $0xFFFFEE00  }
0xdb: {  	v0 =	vld [tilespmem:s18+$0xFAC0]  }
0xdc: {  	v1 =	vld [tilespmem:s18+$0xFAD0]  }
0xdd: {  	v2 =	vld [tilespmem:s18+$0xFA80]  }
0xde: {  	v3 =	vld [tilespmem:s18+$0xFA90]  }
0xdf: {  	v4 =	vld [tilespmem:s18+$0xFA40]  }
0xe0: {  	v5 =	vld [tilespmem:s18+$0xFA50]  }
0xe1: {  	v10 =	vld [tilespmem:s18+$0xFA00]  }
0xe2: {  	v6 =	vimm.f32 $0.0e+00;
	v12 =	vld [tilespmem:s18+$0xFA10]  }
0xe3: {  	v8 =	vimm.f32 $0.0e+00;
	v7 =	vimm.f32 $0.0e+00;
	v9 =	vimm.f32 $0.0e+00;
	s19 =	simm.s32 $0x400;
	v11 =	vld [tilespmem:s18+$0xFA20]  }
.LBB2_11:
0xe4: {  	p1 =	sne.s32 s19, $0xC400;
	v13 =	vld [tilespmem:s18+$0xFA30]  }
0xe5: {  	v14 =	vld [tilespmem:s18+$0xFA60]  }
0xe6: {  	v15 =	vld [tilespmem:s18+$0xFA70]  }
0xe7: {  	v16 =	vld [tilespmem:s18+$0xFAA0]  }
0xe8: {  	v6 =	vadd.f32 v10, v6;
	v9 =	vadd.f32 v12, v9;
	v10 =	vld [tilespmem:s18+$0xFAB0]  }
0xe9: {  	v8 =	vadd.f32 v11, v8;
	v7 =	vadd.f32 v13, v7;
	v11 =	vld [tilespmem:s18+$0xFAE0]  }
0xea: {  	v4 =	vadd.f32 v4, v6;
	v5 =	vadd.f32 v5, v9;
	v12 =	vld [tilespmem:s18+$0xFAF0];
	s18 =	sshra.s32 s19, $0x2  }
0xeb: {  	v6 =	vadd.f32 v14, v8;
	v13 =	vld [tilespmem:s18+$0xFAC0];
	v7 =	vadd.f32 v15, v7  }
0xec: {  	v4 =	vadd.f32 v2, v4;
	v5 =	vadd.f32 v3, v5;
	v14 =	vld [tilespmem:s18+$0xFAD0]  }
0xed: {  	v8 =	vadd.f32 v16, v6;
	v2 =	vld [tilespmem:s18+$0xFA80];
	v7 =	vadd.f32 v10, v7  }
0xee: {  	v6 =	vadd.f32 v0, v4;
	v9 =	vadd.f32 v1, v5;
	v3 =	vld [tilespmem:s18+$0xFA90]  }
.Ltmp4:
0xef: {  	v8 =	vadd.f32 v11, v8;
	v4 =	vld [tilespmem:s18+$0xFA40];
	v7 =	vadd.f32 v12, v7;
	(pc) =	sbr.rel @p1 .LBB2_11-.Ltmp4, $4  }
0xf0: {  	v5 =	vld [tilespmem:s18+$0xFA50];
	v0 =	vmov v13  }
0xf1: {  	v10 =	vld [tilespmem:s18+$0xFA00];
	v1 =	vmov v14  }
0xf2: {  	v12 =	vld [tilespmem:s18+$0xFA10]  }
0xf3: {  	s19 =	sadd.s32 $0x400, s19;
	v11 =	vld [tilespmem:s18+$0xFA20]  }
0xf4: {  	v13 =	vld [tilespmem:s18+$0xFA30]  }
0xf5: {  	v14 =	vld [tilespmem:s18+$0xFA60]  }
0xf6: {  	v15 =	vld [tilespmem:s18+$0xFA70];
	v6 =	vadd.f32 v10, v6  }
0xf7: {  	v53 =	vld [tilespmem:s18+$0xFAA0];
	v9 =	vadd.f32 v12, v9  }
0xf8: {  	v54 =	vld [tilespmem:s18+$0xFAB0];
	v8 =	vadd.f32 v11, v8;
	v4 =	vadd.f32 v4, v6  }
0xf9: {  	v56 =	vld [tilespmem:s18+$0xFAE0];
	v55 =	vadd.f32 v13, v7;
	v5 =	vadd.f32 v5, v9  }
0xfa: {  	v57 =	vld [tilespmem:s18+$0xFAF0];
	v8 =	vadd.f32 v14, v8;
	v2 =	vadd.f32 v2, v4  }
0xfb: {  	v58 =	vadd.f32 v15, v55;
	v3 =	vadd.f32 v3, v5  }
0xfc: {  	v59 =	vadd.f32 v53, v8;
	v0 =	vadd.f32 v0, v2  }
0xfd: {  	v60 =	vadd.f32 v54, v58;
	v1 =	vadd.f32 v1, v3  }
0xfe: {  	v61 =	vadd.f32 v56, v59;
	v0 =	vmul.f32 $4.999999890e-03, v0  }
.Ltmp5:
0xff: {  	v2 =	vadd.f32 v57, v60;
	v1 =	vmul.f32 $4.999999890e-03, v1;
	(pc) =	sbr.rel @p0 .LBB2_14-.Ltmp5, $4  }
0x100: {  	[tilespmem:s17+$0x12CC0] =	vst v0;
	v62 =	vmul.f32 $4.999999890e-03, v61  }
0x101: {  	[tilespmem:s17+$0x12CD0] =	vst v1;
	v63 =	vmul.f32 $4.999999890e-03, v2  }
0x102: {  	[tilespmem:s17+$0x12CE0] =	vst v62  }
0x103: {  	[tilespmem:s17+$0x12CF0] =	vst v63  }
0x104: {  	s17 =	smul.u32 $0xC80, s16;
	_ =	sdelay $0x1  }
.Ltmp6:
0x105: {  	s17 =	sshra.s32 s17, $0x2;
	(pc) =	sbr.rel .LBB2_4-.Ltmp6, $4  }
0x106: {  	s18 =	sadd.s32 $0x578, s17  }
0x107: {  	[tilespmem:s25], [sflag:$0x4] =	stream.indirect.gather [hbm4b:s3+s11], $0x40, s18, s11, $0xb8;
	[tilespmem:$0x18C80] =	vst v63  }
0x108: {  	s16 =	sadd.s32 $0x1, s16;
	s17 =	sadd.s32 $0x5F8, s17  }
0x109: {  	[tilespmem:s28], [sflag:$0x4] =	stream.indirect.gather [hbm4b:s3+s14], $0x40, s17, s14, $0xb8;
	[tilespmem:$0x18C80] =	vst v63  }
.LBB2_14:
0x10a: {  	_ =	swait.ge [sflag:s0], $0x2000  }
0x10b: {  	[sflag:s0] =	ssyncset.done $0x0  }
0x10c: {  	s16 =	simm.s32 $0x0;
	[sflag:s0] =	ssyncadd.s32 $0xFFFFE000  }
0x10d: {  	v3 =	vld [tilespmem:s16+$0x16CF0]  }
0x10e: {  	v4 =	vld [tilespmem:s16+$0x16C80]  }
0x10f: {  	v5 =	vld [tilespmem:s16+$0x16CC0]  }
0x110: {  	v2 =	vld [tilespmem:s16+$0x16C90]  }
0x111: {  	v0 =	vld [tilespmem:s16+$0x16CD0]  }
0x112: {  	v1 =	vld [tilespmem:s16+$0x16CA0];
	[tilespmem:s16+$0x14C70] =	vst v3  }
0x113: {  	[tilespmem:s16+$0x14C00] =	vst v4;
	v3 =	vld [tilespmem:s16+$0x16CE0]  }
0x114: {  	s17 =	simm.s32 $0x80;
	s18 =	simm.s32 $0x400;
	[tilespmem:s16+$0x14C40] =	vst v5;
	v4 =	vld [tilespmem:s16+$0x16CB0]  }
.LBB2_15:
0x115: {  	p0 =	sne.s32 s18, $0x7E00;
	v5 =	vld [tilespmem:s17+$0x16CF0];
	[tilespmem:s16+$0x14C10] =	vst v2  }
0x116: {  	v6 =	vld [tilespmem:s17+$0x16C80];
	[tilespmem:s16+$0x14C50] =	vst v0  }
0x117: {  	v7 =	vld [tilespmem:s17+$0x16CC0];
	[tilespmem:s16+$0x14C20] =	vst v1  }
.Ltmp7:
0x118: {  	v2 =	vld [tilespmem:s17+$0x16C90];
	[tilespmem:s16+$0x14C60] =	vst v3;
	(pc) =	sbr.rel @p0 .LBB2_15-.Ltmp7, $4  }
0x119: {  	v0 =	vld [tilespmem:s17+$0x16CD0];
	[tilespmem:s16+$0x14C30] =	vst v4;
	s16 =	smov.u32 s17  }
0x11a: {  	v1 =	vld [tilespmem:s16+$0x16CA0];
	[tilespmem:s16+$0x14C70] =	vst v5  }
0x11b: {  	[tilespmem:s16+$0x14C00] =	vst v6;
	v3 =	vld [tilespmem:s16+$0x16CE0]  }
0x11c: {  	s17 =	sshra.s32 s18, $0x2;
	s18 =	sadd.s32 $0x200, s18;
	[tilespmem:s16+$0x14C40] =	vst v7;
	v4 =	vld [tilespmem:s16+$0x16CB0]  }
0x11d: {  	v5 =	vld [tilespmem:s17+$0x16CF0];
	[tilespmem:s16+$0x14C10] =	vst v2  }
0x11e: {  	v2 =	vld [tilespmem:s17+$0x16C80];
	[tilespmem:s16+$0x14C50] =	vst v0  }
0x11f: {  	v0 =	vld [tilespmem:s17+$0x16CC0];
	[tilespmem:s16+$0x14C20] =	vst v1  }
0x120: {  	v1 =	vld [tilespmem:s17+$0x16C90];
	[tilespmem:s16+$0x14C60] =	vst v3  }
0x121: {  	v3 =	vld [tilespmem:s17+$0x16CD0];
	[tilespmem:s16+$0x14C30] =	vst v4  }
0x122: {  	v4 =	vld [tilespmem:s17+$0x16CA0];
	[tilespmem:s17+$0x14C70] =	vst v5  }
0x123: {  	v62 =	vld [tilespmem:s17+$0x16CE0];
	[tilespmem:s17+$0x14C00] =	vst v2  }
0x124: {  	v63 =	vld [tilespmem:s17+$0x16CB0];
	[tilespmem:s17+$0x14C40] =	vst v0  }
0x125: {  	[tilespmem:s17+$0x14C10] =	vst v1  }
0x126: {  	[tilespmem:s17+$0x14C50] =	vst v3  }
0x127: {  	[tilespmem:s17+$0x14C20] =	vst v4  }
0x128: {  	[tilespmem:s17+$0x14C60] =	vst v62  }
0x129: {  	[tilespmem:s17+$0x14C30] =	vst v63  }
0x12a: {  	[hbm4b:s6+s2] =	stream.linear.scatter [tilespmem:s12], [sflag:$0x6], $0x2000, $0x38;
	[tilespmem:$0x18C80] =	vst v63  }
0x12b: {  	s15 =	sadd.s32 $0x1, s15;
	_ =	swait.ge [sflag:s9], $0x2000  }
0x12c: {  	p0 =	sne.s32 s15, s8;
	[sflag:s9] =	ssyncset.done $0x0  }
.Ltmp8:
0x12d: {  	[sflag:s9] =	ssyncadd.s32 $0xFFFFE000;
	(pc) =	sbr.rel @p0 .LBB2_1-.Ltmp8, $4  }
0x12e: {  	[hbm4b:s7+s2] =	stream.linear.scatter [tilespmem:s13], [sflag:$0x6], $0x2000, $0x38;
	[tilespmem:$0x18C80] =	vst v63  }
0x12f: {  	_ =	swait.ge [sflag:s9], $0x2000  }
0x130: {  	[sflag:s9] =	ssyncset.done $0x0  }
0x131: {  	[sflag:s9] =	ssyncadd.s32 $0xFFFFE000  }
0x132: {  	_ =	sfence.sel $0x180000  }
0x133: {  	[bflag:$0x0] =	sbarrier.arrive $0xFFFF  }
0x134: {  	_ =	strace $0x9000004A  }
0x135: {  	s0 =	stileid.u32;
	[bflag:$0x2] =	sbarrier.arrive $0xFFFF  }
0x136: {  	p0 =	sne.s32 s0, $0x0;
	s0 =	rddreg [dreg:$0x2]  }
0x137: {  	s0 =	sadd.s32 @!p0 $0x100000, s0  }
0x138: {  	[sflag:s0] =	ssyncadd.tile.s32 @!p0 $0x1;
	_ =	shalt  }
.Lfunc_end2:
_tile_overlayer_lowered:
.L_overlay_start_2:
0x139: {  	(tag) =	ssettag $0x2  }
0x13a: {  	s0 =	rddreg [dreg:$0x0];
	s2 =	stileid.u32  }
0x13b: {  	s1 =	rddreg [dreg:$0x1];
	p0 =	sne.s32 s2, $0x0  }
0x13c: {  	s3 =	rddreg [dreg:$0x2];
	[bflag:$0x3] =	sbarrier.arrive $0xFFFF;
	s2 =	simm.s32 @!p0 $0x1C06  }
0x13d: {  	[timem:s3], [sflag:s2] =	dma.local @!p0 [hbm:s0], s1  }
0x13e: {  	s0 =	simm.s32 @!p0 $0x6  }
0x13f: {  	_ =	swait.ge @!p0 [sflag:s0], s1  }
0x140: {  	s1 =	ssub.s32 @!p0 $0x0, s1;
	[sflag:s0] =	ssyncset.done @!p0 $0x0  }
0x141: {  	[sflag:s0] =	ssyncadd.s32 @!p0 s1  }
0x142: {  	[bflag:$0x3] =	sbarrier.arrive $0xFFFF  }
0x143: {  	_ =	shalt  }

</sc_bundles>
